<compile_context>
chip_gen: v7x
topology: tpu7x:2x2x1
jax: 0.10.2.dev20260603
libtpu: 0.0.44.dev20260713+nightly
codegen_flags: <defaults>
</compile_context>

<pallas_src>
import dataclasses

import jax
import jax.numpy as jnp
from jax import lax
from jax.experimental import pallas as pl
from jax.experimental.pallas import tpu as pltpu
from jax.experimental.pallas import tpu_sc as plsc

_NE = 8192
_ED = 256
_ROWS = 16384
_BM = 512
_COMMIT = 0.25

_CHUNK = 2736
_CPAD = 2816
_NCH = 3
_PADV = 1e30

_NW = 32
_RPW = _ROWS // _NW
_GCH = 128
_HL = 16


def _argmin_body(x_ref, wt_ref, x2_ref, w2_ref, idx_ref, md_ref):
    xb = x_ref[...].astype(jnp.bfloat16)
    mm = lax.dot_general(xb, wt_ref[...],
                         dimension_numbers=(((1,), (0,)), ((), ())),
                         preferred_element_type=jnp.float32)
    d = (x2_ref[...] + w2_ref[...]) - mm
    acc_i = acc_m = acc_v = None
    for c in range(_NCH):
        dc = d[:, c * _CPAD:(c + 1) * _CPAD]
        mc = jnp.min(dc, axis=1, keepdims=True)
        col = lax.broadcasted_iota(jnp.int32, dc.shape, 1) + c * _CHUNK
        ic = jnp.min(jnp.where(dc == mc, col, jnp.int32(_NE)), axis=1,
                     keepdims=True)
        if c == 0:
            acc_i, acc_m = ic, mc
        else:
            take = mc < acc_v
            acc_i = jnp.where(take, ic, acc_i)
            acc_m = jnp.where(take, mc, acc_m)
        acc_v = acc_m.astype(jnp.bfloat16).astype(jnp.float32)
    idx_ref[...] = acc_i
    md_ref[...] = acc_m


def _reduce_body(md_ref, cnt_ref, loss_ref, perp_ref):
    s = jnp.sum(md_ref[...], keepdims=True)
    m = s / jnp.float32(_ROWS * _ED)
    loss_ref[...] = m + _COMMIT * m
    counts = jnp.sum(cnt_ref[...], axis=0, keepdims=True)
    p = counts * (1.0 / _ROWS)
    ent = jnp.sum(p * jnp.log(p + 1e-10), keepdims=True)
    perp_ref[...] = jnp.exp(-ent)


def _sc_body(w_hbm, idx_hbm, q_hbm, cnt_hbm, idx_v, buf0, buf1, hist_v,
             sem0, sem1):
    c = lax.axis_index("c")
    s = lax.axis_index("s")
    wid = s * 2 + c
    base = wid * _RPW
    pltpu.sync_copy(idx_hbm.at[pl.ds(base, _RPW)], idx_v)

    nch = _RPW // _GCH
    bufs = [(buf0, sem0), (buf1, sem1)]
    cp = pltpu.async_copy(w_hbm.at[idx_v.at[pl.ds(0, _GCH)]], buf0, sem0)

    zeros = jnp.zeros((_HL,), jnp.float32)

    @pl.loop(0, _NE // _HL)
    def _(i):
        hist_v[pl.ds(i * _HL, _HL)] = zeros

    ones = jnp.ones((_HL,), jnp.float32)

    @pl.loop(0, _RPW // _HL)
    def _(i):
        idxv = idx_v[pl.ds(i * _HL, _HL)]
        plsc.addupdate_scatter(hist_v, [idxv], ones)

    for ch in range(nch):
        buf, _sem = bufs[ch % 2]
        cp.wait()
        if ch + 1 < nch:
            nbuf, nsem = bufs[(ch + 1) % 2]
            cp = pltpu.async_copy(
                w_hbm.at[idx_v.at[pl.ds((ch + 1) * _GCH, _GCH)]], nbuf, nsem)
        pltpu.sync_copy(buf, q_hbm.at[pl.ds(base + ch * _GCH, _GCH)])

    pltpu.sync_copy(hist_v, cnt_hbm.at[wid])


def _sc_gather_hist(weight, idx_flat):
    mesh = plsc.VectorSubcoreMesh(core_axis_name="c", subcore_axis_name="s")
    cp = pltpu.CompilerParams()
    if "needs_layout_passes" in pltpu.CompilerParams.__dataclass_fields__:
        cp = dataclasses.replace(cp, needs_layout_passes=False)
    run = pl.kernel(
        _sc_body,
        out_type=[
            jax.ShapeDtypeStruct((_ROWS, _ED), jnp.float32),
            jax.ShapeDtypeStruct((_NW, _NE), jnp.float32),
        ],
        mesh=mesh,
        scratch_types=[
            pltpu.VMEM((_RPW,), jnp.int32),
            pltpu.VMEM((_GCH, _ED), jnp.float32),
            pltpu.VMEM((_GCH, _ED), jnp.float32),
            pltpu.VMEM((_NE,), jnp.float32),
            pltpu.SemaphoreType.DMA,
            pltpu.SemaphoreType.DMA,
        ],
        compiler_params=cp,
    )
    return run(weight, idx_flat)


def kernel(inputs, weight):
    x = inputs.reshape(-1, _ED)
    x2 = jnp.sum(x ** 2, axis=1, keepdims=True)
    w2 = jnp.sum(weight ** 2, axis=1)
    wt = (weight.T * 2.0).astype(jnp.bfloat16)

    zpad = [jnp.zeros((_ED, _CPAD - _CHUNK), jnp.bfloat16),
            jnp.zeros((_ED, _CPAD - (_NE - 2 * _CHUNK)), jnp.bfloat16)]
    wt_pad = jnp.concatenate(
        [wt[:, 0:_CHUNK], zpad[0],
         wt[:, _CHUNK:2 * _CHUNK], zpad[0],
         wt[:, 2 * _CHUNK:], zpad[1]], axis=1)
    vpad = [jnp.full((1, _CPAD - _CHUNK), _PADV, jnp.float32),
            jnp.full((1, _CPAD - (_NE - 2 * _CHUNK)), _PADV, jnp.float32)]
    w2_pad = jnp.concatenate(
        [w2[None, 0:_CHUNK], vpad[0],
         w2[None, _CHUNK:2 * _CHUNK], vpad[0],
         w2[None, 2 * _CHUNK:], vpad[1]], axis=1)

    idx2, md2 = pl.pallas_call(
        _argmin_body,
        grid=(_ROWS // _BM,),
        in_specs=[
            pl.BlockSpec((_BM, _ED), lambda i: (i, 0)),
            pl.BlockSpec((_ED, _NCH * _CPAD), lambda i: (0, 0)),
            pl.BlockSpec((_BM, 1), lambda i: (i, 0)),
            pl.BlockSpec((1, _NCH * _CPAD), lambda i: (0, 0)),
        ],
        out_specs=[
            pl.BlockSpec((_BM, 1), lambda i: (i, 0)),
            pl.BlockSpec((_BM, 1), lambda i: (i, 0)),
        ],
        out_shape=[
            jax.ShapeDtypeStruct((_ROWS, 1), jnp.int32),
            jax.ShapeDtypeStruct((_ROWS, 1), jnp.float32),
        ],
    )(x, wt_pad, x2, w2_pad)

    idx_flat = idx2.reshape(_ROWS)
    q, cnt = _sc_gather_hist(weight, idx_flat)

    loss2, perp2 = pl.pallas_call(
        _reduce_body,
        in_specs=[
            pl.BlockSpec((_ROWS, 1), lambda: (0, 0)),
            pl.BlockSpec((_NW, _NE), lambda: (0, 0)),
        ],
        out_specs=[
            pl.BlockSpec((1, 1), lambda: (0, 0)),
            pl.BlockSpec((1, 1), lambda: (0, 0)),
        ],
        out_shape=[
            jax.ShapeDtypeStruct((1, 1), jnp.float32),
            jax.ShapeDtypeStruct((1, 1), jnp.float32),
        ],
    )(md2, cnt)

    return (loss2.reshape(()),
            q.reshape(inputs.shape),
            perp2.reshape(()),
            idx_flat.reshape(inputs.shape[0], -1))

# --- scband reference (transcript-rebuilt; emitter-appended) ---
"""Pipeline reference for scband-vector-quantizer-32444182954059 (READ-ONLY COPY).

The authoritative reference and input builder live on the scoring server;
editing this copy changes nothing except your own understanding.
"""

import jax, jax.numpy as jnp
import numpy as np

NUM_EMBEDDINGS = 8192
EMBEDDING_DIM = 256
COMMITMENT_COST = 0.25


def setup_inputs(seed: int = 0) -> dict:
    key = jax.random.key(seed)
    k1, k2 = jax.random.split(key)
    inputs = jax.random.normal(k1, (16, 1024, 256), dtype=jnp.float32)
    weight = jax.random.uniform(
        k2, (NUM_EMBEDDINGS, EMBEDDING_DIM), dtype=jnp.float32,
        minval=-1.0 / NUM_EMBEDDINGS, maxval=1.0 / NUM_EMBEDDINGS)
    return {"inputs": inputs, "weight": weight}


def reference(inputs, weight):
    input_shape = inputs.shape
    flat_input = inputs.reshape(-1, EMBEDDING_DIM)
    distances = (jnp.sum(flat_input ** 2, axis=1, keepdims=True)
                 + jnp.sum(weight ** 2, axis=1)
                 - 2.0 * jnp.matmul(flat_input, weight.T))
    encoding_indices = jnp.argmin(distances, axis=1)
    encodings = jax.nn.one_hot(encoding_indices, NUM_EMBEDDINGS, dtype=jnp.float32)
    quantized = jnp.matmul(encodings, weight).reshape(input_shape)
    loss = (jnp.mean((quantized - jax.lax.stop_gradient(inputs)) ** 2)
            + COMMITMENT_COST * jnp.mean((jax.lax.stop_gradient(quantized) - inputs) ** 2))
    quantized_st = inputs + jax.lax.stop_gradient(quantized - inputs)
    avg_probs = jnp.mean(encodings, axis=0)
    perplexity = jnp.exp(-jnp.sum(avg_probs * jnp.log(avg_probs + 1e-10)))
    return (loss, quantized_st, perplexity, encoding_indices.reshape(input_shape[0], -1))

if __name__ == "__main__":
    import jax
    _d = setup_inputs()
    print(jax.jit(kernel)(*tuple(_d.values())))

</pallas_src>

<mosaic_0001>
#map = affine_map<(d0, d1) -> (0, 0)>
#map1 = affine_map<(d0, d1) -> (0)>
module attributes {stable_mosaic.version = 14 : i64} {
  func.func @_sc_body(%arg0: i32, %arg1: i32, %arg2: memref<8192x256xf32, #tpu.memory_space<hbm>>, %arg3: memref<16384xi32, #tpu.memory_space<hbm>>, %arg4: memref<16384x256xf32, #tpu.memory_space<hbm>>, %arg5: memref<32x8192xf32, #tpu.memory_space<hbm>>, %arg6: memref<512xi32, #tpu.memory_space<vmem>>, %arg7: memref<128x256xf32, #tpu.memory_space<vmem>>, %arg8: memref<128x256xf32, #tpu.memory_space<vmem>>, %arg9: memref<8192xf32, #tpu.memory_space<vmem>>, %arg10: memref<!tpu.dma_semaphore, #tpu.memory_space<semaphore_mem>>, %arg11: memref<!tpu.dma_semaphore, #tpu.memory_space<semaphore_mem>>) attributes {dimension_semantics = [#tpu.dimension_semantics<core_parallel>, #tpu.dimension_semantics<subcore_parallel>], iteration_bounds = array<i64: 2, 16>, scalar_prefetch = 0 : i64, scratch_operands = 6 : i64, tpu.core_type = #tpu.core_type<sc_vector_subcore>, window_params = [{transform_indices = #map}, {transform_indices = #map1}, {transform_indices = #map}, {transform_indices = #map}]} {
    %mul3A = arith.constant 2 : i32
    %mul3A_0 = arith.muli %arg1, %mul3A : i32
    %add3A = arith.addi %mul3A_0, %arg0 : i32
    %mul3A_1 = arith.constant 512 : i32
    %mul3A_2 = arith.muli %add3A, %mul3A_1 : i32
    "tpu.region"() ({
      %run_scoped3A = tpu.sem_alloc : memref<!tpu.dma_semaphore, #tpu.memory_space<semaphore_mem>>
      %dma_start3A_61 = tpu.memref_slice %arg3[%mul3A_2] : memref<16384xi32, #tpu.memory_space<hbm>> -> memref<512xi32, #tpu.memory_space<hbm>>
      %dma_start3A_62 = tpu.memref_slice %arg3[%mul3A_2] : memref<16384xi32, #tpu.memory_space<hbm>> -> memref<512xi32, #tpu.memory_space<hbm>>
      tpu.enqueue_dma source(%dma_start3A_62 : memref<512xi32, #tpu.memory_space<hbm>>) target(%arg6 : memref<512xi32, #tpu.memory_space<vmem>>) target_semaphore(%run_scoped3A : memref<!tpu.dma_semaphore, #tpu.memory_space<semaphore_mem>>)
      %dma_wait3A_63 = tpu.memref_slice %arg3[%mul3A_2] : memref<16384xi32, #tpu.memory_space<hbm>> -> memref<512xi32, #tpu.memory_space<hbm>>
      %dma_wait3A_64 = tpu.memref_slice %arg3[%mul3A_2] : memref<16384xi32, #tpu.memory_space<hbm>> -> memref<512xi32, #tpu.memory_space<hbm>>
      tpu.wait_dma2 semaphore(%run_scoped3A : memref<!tpu.dma_semaphore, #tpu.memory_space<semaphore_mem>>) src(%dma_wait3A_64 : memref<512xi32, #tpu.memory_space<hbm>>) dst(%arg6 : memref<512xi32, #tpu.memory_space<vmem>>)
      tpu.yield
    }) : () -> ()
    %dma_start3A = arith.constant 0 : i32
    %dma_start3A_3 = tpu.memref_slice %arg6[%dma_start3A] : memref<512xi32, #tpu.memory_space<vmem>> -> memref<128xi32, #tpu.memory_space<vmem>>
    %dma_start3A_4 = arith.constant 0 : i32
    %dma_start3A_5 = arith.constant 0 : i32
    %dma_start3A_6 = tpu.memref_slice %arg2[%dma_start3A_4, %dma_start3A_5] : memref<8192x256xf32, #tpu.memory_space<hbm>> -> memref<8192x256xf32, #tpu.memory_space<hbm>>
    tpu.enqueue_indirect_dma source(%dma_start3A_6 : memref<8192x256xf32, #tpu.memory_space<hbm>>) target(%arg7 : memref<128x256xf32, #tpu.memory_space<vmem>>) offsets(%dma_start3A_3 : memref<128xi32, #tpu.memory_space<vmem>>) semaphore(%arg10 : memref<!tpu.dma_semaphore, #tpu.memory_space<semaphore_mem>>)
    %broadcast_in_dim3A = arith.constant 0.000000e+00 : f32
    %broadcast_in_dim3A_7 = vector.broadcast %broadcast_in_dim3A : f32 to vector<16xf32>
    %scan3A = arith.constant 0 : i32
    %scan3A_8 = arith.constant 512 : i32
    %scan3A_9 = arith.addi %scan3A, %scan3A_8 : i32
    %scan3A_10 = arith.constant 1 : i32
    scf.for %scan3A_61 = %scan3A to %scan3A_9 step %scan3A_10  : i32 {
      %mul3A_62 = arith.constant 1 : i32
      %mul3A_63 = arith.muli %scan3A_61, %mul3A_62 : i32
      %add3A_64 = arith.constant 0 : i32
      %add3A_65 = arith.addi %add3A_64, %mul3A_63 : i32
      %mul3A_66 = arith.constant 16 : i32
      %mul3A_67 = arith.muli %add3A_65, %mul3A_66 : i32
      %swap3A = arith.index_cast %mul3A_67 : i32 to index
      %swap3A_68 = tpu.vector_load %arg9[%swap3A] {strides = array<i32>} : memref<8192xf32, #tpu.memory_space<vmem>>, vector<16xf32>,
      tpu.vector_store %arg9[%swap3A], %broadcast_in_dim3A_7 {strides = array<i32>} : memref<8192xf32, #tpu.memory_space<vmem>>, vector<16xf32>,
    }
    %scan3A_11 = arith.constant 512 : i32
    %broadcast_in_dim3A_12 = arith.constant 1.000000e+00 : f32
    %broadcast_in_dim3A_13 = vector.broadcast %broadcast_in_dim3A_12 : f32 to vector<16xf32>
    %scan3A_14 = arith.constant 0 : i32
    %scan3A_15 = arith.constant 32 : i32
    %scan3A_16 = arith.addi %scan3A_14, %scan3A_15 : i32
    %scan3A_17 = arith.constant 1 : i32
    scf.for %scan3A_61 = %scan3A_14 to %scan3A_16 step %scan3A_17  : i32 {
      %mul3A_62 = arith.constant 1 : i32
      %mul3A_63 = arith.muli %scan3A_61, %mul3A_62 : i32
      %add3A_64 = arith.constant 0 : i32
      %add3A_65 = arith.addi %add3A_64, %mul3A_63 : i32
      %mul3A_66 = arith.constant 16 : i32
      %mul3A_67 = arith.muli %add3A_65, %mul3A_66 : i32
      %get3A = arith.index_cast %mul3A_67 : i32 to index
      %get3A_68 = tpu.vector_load %arg6[%get3A] {strides = array<i32>} : memref<512xi32, #tpu.memory_space<vmem>>, vector<16xi32>,
      tpu.vector_store_idx %arg9[%get3A_68], %broadcast_in_dim3A_13 {add = true} : memref<8192xf32, #tpu.memory_space<vmem>>[vector<16xi32>], vector<16xf32>,
    }
    %scan3A_18 = arith.constant 32 : i32
    %dma_wait3A = arith.constant 0 : i32
    %dma_wait3A_19 = tpu.memref_slice %arg6[%dma_wait3A] : memref<512xi32, #tpu.memory_space<vmem>> -> memref<128xi32, #tpu.memory_space<vmem>>
    %dma_wait3A_20 = arith.constant 0 : i32
    %dma_wait3A_21 = arith.constant 0 : i32
    %dma_wait3A_22 = tpu.memref_slice %arg2[%dma_wait3A_20, %dma_wait3A_21] : memref<8192x256xf32, #tpu.memory_space<hbm>> -> memref<8192x256xf32, #tpu.memory_space<hbm>>
    tpu.wait_indirect_dma semaphore(%arg10 : memref<!tpu.dma_semaphore, #tpu.memory_space<semaphore_mem>>) src(%dma_wait3A_22 : memref<8192x256xf32, #tpu.memory_space<hbm>>) dst(%arg7 : memref<128x256xf32, #tpu.memory_space<vmem>>)
    %dma_start3A_23 = arith.constant 128 : i32
    %dma_start3A_24 = tpu.memref_slice %arg6[%dma_start3A_23] : memref<512xi32, #tpu.memory_space<vmem>> -> memref<128xi32, #tpu.memory_space<vmem>>
    %dma_start3A_25 = arith.constant 0 : i32
    %dma_start3A_26 = arith.constant 0 : i32
    %dma_start3A_27 = tpu.memref_slice %arg2[%dma_start3A_25, %dma_start3A_26] : memref<8192x256xf32, #tpu.memory_space<hbm>> -> memref<8192x256xf32, #tpu.memory_space<hbm>>
    tpu.enqueue_indirect_dma source(%dma_start3A_27 : memref<8192x256xf32, #tpu.memory_space<hbm>>) target(%arg8 : memref<128x256xf32, #tpu.memory_space<vmem>>) offsets(%dma_start3A_24 : memref<128xi32, #tpu.memory_space<vmem>>) semaphore(%arg11 : memref<!tpu.dma_semaphore, #tpu.memory_space<semaphore_mem>>)
    %add3A_28 = arith.constant 0 : i32
    %add3A_29 = arith.addi %mul3A_2, %add3A_28 : i32
    "tpu.region"() ({
      %run_scoped3A = tpu.sem_alloc : memref<!tpu.dma_semaphore, #tpu.memory_space<semaphore_mem>>
      %dma_start3A_61 = arith.constant 0 : i32
      %dma_start3A_62 = tpu.memref_slice %arg4[%add3A_29, %dma_start3A_61] : memref<16384x256xf32, #tpu.memory_space<hbm>> -> memref<128x256xf32, #tpu.memory_space<hbm>>
      %dma_start3A_63 = arith.constant 0 : i32
      %dma_start3A_64 = tpu.memref_slice %arg4[%add3A_29, %dma_start3A_63] : memref<16384x256xf32, #tpu.memory_space<hbm>> -> memref<128x256xf32, #tpu.memory_space<hbm>>
      tpu.enqueue_dma source(%arg7 : memref<128x256xf32, #tpu.memory_space<vmem>>) target(%dma_start3A_64 : memref<128x256xf32, #tpu.memory_space<hbm>>) target_semaphore(%run_scoped3A : memref<!tpu.dma_semaphore, #tpu.memory_space<semaphore_mem>>)
      %dma_wait3A_65 = arith.constant 0 : i32
      %dma_wait3A_66 = tpu.memref_slice %arg4[%add3A_29, %dma_wait3A_65] : memref<16384x256xf32, #tpu.memory_space<hbm>> -> memref<128x256xf32, #tpu.memory_space<hbm>>
      %dma_wait3A_67 = arith.constant 0 : i32
      %dma_wait3A_68 = tpu.memref_slice %arg4[%add3A_29, %dma_wait3A_67] : memref<16384x256xf32, #tpu.memory_space<hbm>> -> memref<128x256xf32, #tpu.memory_space<hbm>>
      tpu.wait_dma2 semaphore(%run_scoped3A : memref<!tpu.dma_semaphore, #tpu.memory_space<semaphore_mem>>) src(%arg7 : memref<128x256xf32, #tpu.memory_space<vmem>>) dst(%dma_wait3A_68 : memref<128x256xf32, #tpu.memory_space<hbm>>)
      tpu.yield
    }) : () -> ()
    %dma_wait3A_30 = arith.constant 128 : i32
    %dma_wait3A_31 = tpu.memref_slice %arg6[%dma_wait3A_30] : memref<512xi32, #tpu.memory_space<vmem>> -> memref<128xi32, #tpu.memory_space<vmem>>
    %dma_wait3A_32 = arith.constant 0 : i32
    %dma_wait3A_33 = arith.constant 0 : i32
    %dma_wait3A_34 = tpu.memref_slice %arg2[%dma_wait3A_32, %dma_wait3A_33] : memref<8192x256xf32, #tpu.memory_space<hbm>> -> memref<8192x256xf32, #tpu.memory_space<hbm>>
    tpu.wait_indirect_dma semaphore(%arg11 : memref<!tpu.dma_semaphore, #tpu.memory_space<semaphore_mem>>) src(%dma_wait3A_34 : memref<8192x256xf32, #tpu.memory_space<hbm>>) dst(%arg8 : memref<128x256xf32, #tpu.memory_space<vmem>>)
    %dma_start3A_35 = arith.constant 256 : i32
    %dma_start3A_36 = tpu.memref_slice %arg6[%dma_start3A_35] : memref<512xi32, #tpu.memory_space<vmem>> -> memref<128xi32, #tpu.memory_space<vmem>>
    %dma_start3A_37 = arith.constant 0 : i32
    %dma_start3A_38 = arith.constant 0 : i32
    %dma_start3A_39 = tpu.memref_slice %arg2[%dma_start3A_37, %dma_start3A_38] : memref<8192x256xf32, #tpu.memory_space<hbm>> -> memref<8192x256xf32, #tpu.memory_space<hbm>>
    tpu.enqueue_indirect_dma source(%dma_start3A_39 : memref<8192x256xf32, #tpu.memory_space<hbm>>) target(%arg7 : memref<128x256xf32, #tpu.memory_space<vmem>>) offsets(%dma_start3A_36 : memref<128xi32, #tpu.memory_space<vmem>>) semaphore(%arg10 : memref<!tpu.dma_semaphore, #tpu.memory_space<semaphore_mem>>)
    %add3A_40 = arith.constant 128 : i32
    %add3A_41 = arith.addi %mul3A_2, %add3A_40 : i32
    "tpu.region"() ({
      %run_scoped3A = tpu.sem_alloc : memref<!tpu.dma_semaphore, #tpu.memory_space<semaphore_mem>>
      %dma_start3A_61 = arith.constant 0 : i32
      %dma_start3A_62 = tpu.memref_slice %arg4[%add3A_41, %dma_start3A_61] : memref<16384x256xf32, #tpu.memory_space<hbm>> -> memref<128x256xf32, #tpu.memory_space<hbm>>
      %dma_start3A_63 = arith.constant 0 : i32
      %dma_start3A_64 = tpu.memref_slice %arg4[%add3A_41, %dma_start3A_63] : memref<16384x256xf32, #tpu.memory_space<hbm>> -> memref<128x256xf32, #tpu.memory_space<hbm>>
      tpu.enqueue_dma source(%arg8 : memref<128x256xf32, #tpu.memory_space<vmem>>) target(%dma_start3A_64 : memref<128x256xf32, #tpu.memory_space<hbm>>) target_semaphore(%run_scoped3A : memref<!tpu.dma_semaphore, #tpu.memory_space<semaphore_mem>>)
      %dma_wait3A_65 = arith.constant 0 : i32
      %dma_wait3A_66 = tpu.memref_slice %arg4[%add3A_41, %dma_wait3A_65] : memref<16384x256xf32, #tpu.memory_space<hbm>> -> memref<128x256xf32, #tpu.memory_space<hbm>>
      %dma_wait3A_67 = arith.constant 0 : i32
      %dma_wait3A_68 = tpu.memref_slice %arg4[%add3A_41, %dma_wait3A_67] : memref<16384x256xf32, #tpu.memory_space<hbm>> -> memref<128x256xf32, #tpu.memory_space<hbm>>
      tpu.wait_dma2 semaphore(%run_scoped3A : memref<!tpu.dma_semaphore, #tpu.memory_space<semaphore_mem>>) src(%arg8 : memref<128x256xf32, #tpu.memory_space<vmem>>) dst(%dma_wait3A_68 : memref<128x256xf32, #tpu.memory_space<hbm>>)
      tpu.yield
    }) : () -> ()
    %dma_wait3A_42 = arith.constant 256 : i32
    %dma_wait3A_43 = tpu.memref_slice %arg6[%dma_wait3A_42] : memref<512xi32, #tpu.memory_space<vmem>> -> memref<128xi32, #tpu.memory_space<vmem>>
    %dma_wait3A_44 = arith.constant 0 : i32
    %dma_wait3A_45 = arith.constant 0 : i32
    %dma_wait3A_46 = tpu.memref_slice %arg2[%dma_wait3A_44, %dma_wait3A_45] : memref<8192x256xf32, #tpu.memory_space<hbm>> -> memref<8192x256xf32, #tpu.memory_space<hbm>>
    tpu.wait_indirect_dma semaphore(%arg10 : memref<!tpu.dma_semaphore, #tpu.memory_space<semaphore_mem>>) src(%dma_wait3A_46 : memref<8192x256xf32, #tpu.memory_space<hbm>>) dst(%arg7 : memref<128x256xf32, #tpu.memory_space<vmem>>)
    %dma_start3A_47 = arith.constant 384 : i32
    %dma_start3A_48 = tpu.memref_slice %arg6[%dma_start3A_47] : memref<512xi32, #tpu.memory_space<vmem>> -> memref<128xi32, #tpu.memory_space<vmem>>
    %dma_start3A_49 = arith.constant 0 : i32
    %dma_start3A_50 = arith.constant 0 : i32
    %dma_start3A_51 = tpu.memref_slice %arg2[%dma_start3A_49, %dma_start3A_50] : memref<8192x256xf32, #tpu.memory_space<hbm>> -> memref<8192x256xf32, #tpu.memory_space<hbm>>
    tpu.enqueue_indirect_dma source(%dma_start3A_51 : memref<8192x256xf32, #tpu.memory_space<hbm>>) target(%arg8 : memref<128x256xf32, #tpu.memory_space<vmem>>) offsets(%dma_start3A_48 : memref<128xi32, #tpu.memory_space<vmem>>) semaphore(%arg11 : memref<!tpu.dma_semaphore, #tpu.memory_space<semaphore_mem>>)
    %add3A_52 = arith.constant 256 : i32
    %add3A_53 = arith.addi %mul3A_2, %add3A_52 : i32
    "tpu.region"() ({
      %run_scoped3A = tpu.sem_alloc : memref<!tpu.dma_semaphore, #tpu.memory_space<semaphore_mem>>
      %dma_start3A_61 = arith.constant 0 : i32
      %dma_start3A_62 = tpu.memref_slice %arg4[%add3A_53, %dma_start3A_61] : memref<16384x256xf32, #tpu.memory_space<hbm>> -> memref<128x256xf32, #tpu.memory_space<hbm>>
      %dma_start3A_63 = arith.constant 0 : i32
      %dma_start3A_64 = tpu.memref_slice %arg4[%add3A_53, %dma_start3A_63] : memref<16384x256xf32, #tpu.memory_space<hbm>> -> memref<128x256xf32, #tpu.memory_space<hbm>>
      tpu.enqueue_dma source(%arg7 : memref<128x256xf32, #tpu.memory_space<vmem>>) target(%dma_start3A_64 : memref<128x256xf32, #tpu.memory_space<hbm>>) target_semaphore(%run_scoped3A : memref<!tpu.dma_semaphore, #tpu.memory_space<semaphore_mem>>)
      %dma_wait3A_65 = arith.constant 0 : i32
      %dma_wait3A_66 = tpu.memref_slice %arg4[%add3A_53, %dma_wait3A_65] : memref<16384x256xf32, #tpu.memory_space<hbm>> -> memref<128x256xf32, #tpu.memory_space<hbm>>
      %dma_wait3A_67 = arith.constant 0 : i32
      %dma_wait3A_68 = tpu.memref_slice %arg4[%add3A_53, %dma_wait3A_67] : memref<16384x256xf32, #tpu.memory_space<hbm>> -> memref<128x256xf32, #tpu.memory_space<hbm>>
      tpu.wait_dma2 semaphore(%run_scoped3A : memref<!tpu.dma_semaphore, #tpu.memory_space<semaphore_mem>>) src(%arg7 : memref<128x256xf32, #tpu.memory_space<vmem>>) dst(%dma_wait3A_68 : memref<128x256xf32, #tpu.memory_space<hbm>>)
      tpu.yield
    }) : () -> ()
    %dma_wait3A_54 = arith.constant 384 : i32
    %dma_wait3A_55 = tpu.memref_slice %arg6[%dma_wait3A_54] : memref<512xi32, #tpu.memory_space<vmem>> -> memref<128xi32, #tpu.memory_space<vmem>>
    %dma_wait3A_56 = arith.constant 0 : i32
    %dma_wait3A_57 = arith.constant 0 : i32
    %dma_wait3A_58 = tpu.memref_slice %arg2[%dma_wait3A_56, %dma_wait3A_57] : memref<8192x256xf32, #tpu.memory_space<hbm>> -> memref<8192x256xf32, #tpu.memory_space<hbm>>
    tpu.wait_indirect_dma semaphore(%arg11 : memref<!tpu.dma_semaphore, #tpu.memory_space<semaphore_mem>>) src(%dma_wait3A_58 : memref<8192x256xf32, #tpu.memory_space<hbm>>) dst(%arg8 : memref<128x256xf32, #tpu.memory_space<vmem>>)
    %add3A_59 = arith.constant 384 : i32
    %add3A_60 = arith.addi %mul3A_2, %add3A_59 : i32
    "tpu.region"() ({
      %run_scoped3A = tpu.sem_alloc : memref<!tpu.dma_semaphore, #tpu.memory_space<semaphore_mem>>
      %dma_start3A_61 = arith.constant 0 : i32
      %dma_start3A_62 = tpu.memref_slice %arg4[%add3A_60, %dma_start3A_61] : memref<16384x256xf32, #tpu.memory_space<hbm>> -> memref<128x256xf32, #tpu.memory_space<hbm>>
      %dma_start3A_63 = arith.constant 0 : i32
      %dma_start3A_64 = tpu.memref_slice %arg4[%add3A_60, %dma_start3A_63] : memref<16384x256xf32, #tpu.memory_space<hbm>> -> memref<128x256xf32, #tpu.memory_space<hbm>>
      tpu.enqueue_dma source(%arg8 : memref<128x256xf32, #tpu.memory_space<vmem>>) target(%dma_start3A_64 : memref<128x256xf32, #tpu.memory_space<hbm>>) target_semaphore(%run_scoped3A : memref<!tpu.dma_semaphore, #tpu.memory_space<semaphore_mem>>)
      %dma_wait3A_65 = arith.constant 0 : i32
      %dma_wait3A_66 = tpu.memref_slice %arg4[%add3A_60, %dma_wait3A_65] : memref<16384x256xf32, #tpu.memory_space<hbm>> -> memref<128x256xf32, #tpu.memory_space<hbm>>
      %dma_wait3A_67 = arith.constant 0 : i32
      %dma_wait3A_68 = tpu.memref_slice %arg4[%add3A_60, %dma_wait3A_67] : memref<16384x256xf32, #tpu.memory_space<hbm>> -> memref<128x256xf32, #tpu.memory_space<hbm>>
      tpu.wait_dma2 semaphore(%run_scoped3A : memref<!tpu.dma_semaphore, #tpu.memory_space<semaphore_mem>>) src(%arg8 : memref<128x256xf32, #tpu.memory_space<vmem>>) dst(%dma_wait3A_68 : memref<128x256xf32, #tpu.memory_space<hbm>>)
      tpu.yield
    }) : () -> ()
    "tpu.region"() ({
      %run_scoped3A = tpu.sem_alloc : memref<!tpu.dma_semaphore, #tpu.memory_space<semaphore_mem>>
      %dma_start3A_61 = arith.constant 0 : i32
      %dma_start3A_62 = tpu.memref_slice %arg5[%add3A, %dma_start3A_61] : memref<32x8192xf32, #tpu.memory_space<hbm>> -> memref<1x8192xf32, #tpu.memory_space<hbm>>
      %dma_start3A_63 = tpu.memref_squeeze %dma_start3A_62 : memref<1x8192xf32, #tpu.memory_space<hbm>> -> memref<8192xf32, #tpu.memory_space<hbm>>
      %dma_start3A_64 = arith.constant 0 : i32
      %dma_start3A_65 = tpu.memref_slice %arg5[%add3A, %dma_start3A_64] : memref<32x8192xf32, #tpu.memory_space<hbm>> -> memref<1x8192xf32, #tpu.memory_space<hbm>>
      %dma_start3A_66 = tpu.memref_squeeze %dma_start3A_65 : memref<1x8192xf32, #tpu.memory_space<hbm>> -> memref<8192xf32, #tpu.memory_space<hbm>>
      tpu.enqueue_dma source(%arg9 : memref<8192xf32, #tpu.memory_space<vmem>>) target(%dma_start3A_66 : memref<8192xf32, #tpu.memory_space<hbm>>) target_semaphore(%run_scoped3A : memref<!tpu.dma_semaphore, #tpu.memory_space<semaphore_mem>>)
      %dma_wait3A_67 = arith.constant 0 : i32
      %dma_wait3A_68 = tpu.memref_slice %arg5[%add3A, %dma_wait3A_67] : memref<32x8192xf32, #tpu.memory_space<hbm>> -> memref<1x8192xf32, #tpu.memory_space<hbm>>
      %dma_wait3A_69 = tpu.memref_squeeze %dma_wait3A_68 : memref<1x8192xf32, #tpu.memory_space<hbm>> -> memref<8192xf32, #tpu.memory_space<hbm>>
      %dma_wait3A_70 = arith.constant 0 : i32
      %dma_wait3A_71 = tpu.memref_slice %arg5[%add3A, %dma_wait3A_70] : memref<32x8192xf32, #tpu.memory_space<hbm>> -> memref<1x8192xf32, #tpu.memory_space<hbm>>
      %dma_wait3A_72 = tpu.memref_squeeze %dma_wait3A_71 : memref<1x8192xf32, #tpu.memory_space<hbm>> -> memref<8192xf32, #tpu.memory_space<hbm>>
      tpu.wait_dma2 semaphore(%run_scoped3A : memref<!tpu.dma_semaphore, #tpu.memory_space<semaphore_mem>>) src(%arg9 : memref<8192xf32, #tpu.memory_space<vmem>>) dst(%dma_wait3A_72 : memref<8192xf32, #tpu.memory_space<hbm>>)
      tpu.yield
    }) : () -> ()
    return
  }
}

module attributes {stable_mosaic.version = 14 : i64} {
  func.func @_argmin_body(%arg0: i32, %arg1: memref<512x256xf32, #tpu.memory_space<vmem>>, %arg2: memref<256x8448xbf16, #tpu.memory_space<vmem>>, %arg3: memref<512x1xf32, #tpu.memory_space<vmem>>, %arg4: memref<1x8448xf32, #tpu.memory_space<vmem>>, %arg5: memref<512x1xi32, #tpu.memory_space<vmem>>, %arg6: memref<512x1xf32, #tpu.memory_space<vmem>>) attributes {dimension_semantics = [#tpu.dimension_semantics<arbitrary>], iteration_bounds = array<i64: 32>, scalar_prefetch = 0 : i64, scratch_operands = 0 : i64, tpu.core_type = #tpu.core_type<tc>, window_params = [{transform_indices = @transform_0, window_bounds = array<i64: 512, 256>}, {pipeline_mode = #tpu.pipeline_mode<synchronous>, transform_indices = @transform_1, window_bounds = array<i64: 256, 8448>}, {transform_indices = @transform_2, window_bounds = array<i64: 512, 1>}, {pipeline_mode = #tpu.pipeline_mode<synchronous>, transform_indices = @transform_3, window_bounds = array<i64: 1, 8448>}, {transform_indices = @transform_4, window_bounds = array<i64: 512, 1>}, {transform_indices = @transform_5, window_bounds = array<i64: 512, 1>}]} {
    %get3A = arith.constant 0 : index
    %get3A_0 = arith.constant 0 : index
    %get3A_1 = vector.load %arg1[%get3A, %get3A_0] : memref<512x256xf32, #tpu.memory_space<vmem>>, vector<512x256xf32>
    %convert_element_type3A = arith.truncf %get3A_1 : vector<512x256xf32> to vector<512x256xbf16>
    %get3A_2 = arith.constant 0 : index
    %get3A_3 = arith.constant 0 : index
    %get3A_4 = vector.load %arg2[%get3A_2, %get3A_3] : memref<256x8448xbf16, #tpu.memory_space<vmem>>, vector<256x8448xbf16>
    %dot_general3A = arith.constant dense<0.000000e+00> : vector<512x8448xf32>
    %dot_general3A_5 = tpu.matmul %convert_element_type3A, %get3A_4, %dot_general3A {dimension_numbers = #tpu.dot_dimension_numbers<[1], [0], [0], [1], [0, 0, 1, 1], [], []>, transpose_lhs_hint = false} : vector<512x256xbf16>, vector<256x8448xbf16>, vector<512x8448xf32> -> vector<512x8448xf32>
    %get3A_6 = arith.constant 0 : index
    %get3A_7 = arith.constant 0 : index
    %get3A_8 = vector.load %arg3[%get3A_6, %get3A_7] : memref<512x1xf32, #tpu.memory_space<vmem>>, vector<512x1xf32>
    %get3A_9 = arith.constant 0 : index
    %get3A_10 = arith.constant 0 : index
    %get3A_11 = vector.load %arg4[%get3A_9, %get3A_10] : memref<1x8448xf32, #tpu.memory_space<vmem>>, vector<1x8448xf32>
    %add3A = vector.broadcast %get3A_8 : vector<512x1xf32> to vector<512x8448xf32>
    %add3A_12 = vector.broadcast %get3A_11 : vector<1x8448xf32> to vector<512x8448xf32>
    %add3A_13 = arith.addf %add3A, %add3A_12 : vector<512x8448xf32>
    %sub3A = arith.subf %add3A_13, %dot_general3A_5 : vector<512x8448xf32>
    %slice3A = vector.extract_strided_slice %sub3A {offsets = [0, 0], sizes = [512, 2816], strides = [1, 1]} : vector<512x8448xf32> to vector<512x2816xf32>
    %reduce_min3A = arith.constant dense<0x7F800000> : vector<512xf32>
    %reduce_min3A_14 = vector.multi_reduction <minimumf>, %slice3A, %reduce_min3A [1] : vector<512x2816xf32> to vector<512xf32>
    %broadcast_in_dim3A = vector.shape_cast %reduce_min3A_14 : vector<512xf32> to vector<512x1xf32>
    %iota3A = tpu.iota {dimensions = array<i32: 1>} : vector<512x2816xi32>
    %add3A_15 = arith.constant 0 : i32
    %add3A_16 = vector.broadcast %add3A_15 : i32 to vector<512x2816xi32>
    %add3A_17 = arith.addi %iota3A, %add3A_16 : vector<512x2816xi32>
    %eq3A = vector.broadcast %broadcast_in_dim3A : vector<512x1xf32> to vector<512x2816xf32>
    %eq3A_18 = arith.cmpf oeq, %slice3A, %eq3A : vector<512x2816xf32>
    %jit3A = arith.constant 8192 : i32
    %broadcast_in_dim3A_19 = vector.broadcast %jit3A : i32 to vector<512x2816xi32>
    %select_n3A = arith.select %eq3A_18, %add3A_17, %broadcast_in_dim3A_19 : vector<512x2816xi1>, vector<512x2816xi32>
    %reduce_min3A_20 = arith.constant dense<2147483647> : vector<512xi32>
    %reduce_min3A_21 = vector.multi_reduction <minsi>, %select_n3A, %reduce_min3A_20 [1] : vector<512x2816xi32> to vector<512xi32>
    %broadcast_in_dim3A_22 = vector.shape_cast %reduce_min3A_21 : vector<512xi32> to vector<512x1xi32>
    %convert_element_type3A_23 = arith.truncf %broadcast_in_dim3A : vector<512x1xf32> to vector<512x1xbf16>
    %convert_element_type3A_24 = arith.extf %convert_element_type3A_23 : vector<512x1xbf16> to vector<512x1xf32>
    %slice3A_25 = vector.extract_strided_slice %sub3A {offsets = [0, 2816], sizes = [512, 2816], strides = [1, 1]} : vector<512x8448xf32> to vector<512x2816xf32>
    %reduce_min3A_26 = arith.constant dense<0x7F800000> : vector<512xf32>
    %reduce_min3A_27 = vector.multi_reduction <minimumf>, %slice3A_25, %reduce_min3A_26 [1] : vector<512x2816xf32> to vector<512xf32>
    %broadcast_in_dim3A_28 = vector.shape_cast %reduce_min3A_27 : vector<512xf32> to vector<512x1xf32>
    %iota3A_29 = tpu.iota {dimensions = array<i32: 1>} : vector<512x2816xi32>
    %add3A_30 = arith.constant 2736 : i32
    %add3A_31 = vector.broadcast %add3A_30 : i32 to vector<512x2816xi32>
    %add3A_32 = arith.addi %iota3A_29, %add3A_31 : vector<512x2816xi32>
    %eq3A_33 = vector.broadcast %broadcast_in_dim3A_28 : vector<512x1xf32> to vector<512x2816xf32>
    %eq3A_34 = arith.cmpf oeq, %slice3A_25, %eq3A_33 : vector<512x2816xf32>
    %jit3A_35 = arith.constant 8192 : i32
    %broadcast_in_dim3A_36 = vector.broadcast %jit3A_35 : i32 to vector<512x2816xi32>
    %select_n3A_37 = arith.select %eq3A_34, %add3A_32, %broadcast_in_dim3A_36 : vector<512x2816xi1>, vector<512x2816xi32>
    %reduce_min3A_38 = arith.constant dense<2147483647> : vector<512xi32>
    %reduce_min3A_39 = vector.multi_reduction <minsi>, %select_n3A_37, %reduce_min3A_38 [1] : vector<512x2816xi32> to vector<512xi32>
    %broadcast_in_dim3A_40 = vector.shape_cast %reduce_min3A_39 : vector<512xi32> to vector<512x1xi32>
    %lt3A = arith.cmpf olt, %broadcast_in_dim3A_28, %convert_element_type3A_24 : vector<512x1xf32>
    %select_n3A_41 = arith.select %lt3A, %broadcast_in_dim3A_40, %broadcast_in_dim3A_22 : vector<512x1xi1>, vector<512x1xi32>
    %select_n3A_42 = arith.select %lt3A, %broadcast_in_dim3A_28, %broadcast_in_dim3A : vector<512x1xi1>, vector<512x1xf32>
    %convert_element_type3A_43 = arith.truncf %select_n3A_42 : vector<512x1xf32> to vector<512x1xbf16>
    %convert_element_type3A_44 = arith.extf %convert_element_type3A_43 : vector<512x1xbf16> to vector<512x1xf32>
    %slice3A_45 = vector.extract_strided_slice %sub3A {offsets = [0, 5632], sizes = [512, 2816], strides = [1, 1]} : vector<512x8448xf32> to vector<512x2816xf32>
    %reduce_min3A_46 = arith.constant dense<0x7F800000> : vector<512xf32>
    %reduce_min3A_47 = vector.multi_reduction <minimumf>, %slice3A_45, %reduce_min3A_46 [1] : vector<512x2816xf32> to vector<512xf32>
    %broadcast_in_dim3A_48 = vector.shape_cast %reduce_min3A_47 : vector<512xf32> to vector<512x1xf32>
    %iota3A_49 = tpu.iota {dimensions = array<i32: 1>} : vector<512x2816xi32>
    %add3A_50 = arith.constant 5472 : i32
    %add3A_51 = vector.broadcast %add3A_50 : i32 to vector<512x2816xi32>
    %add3A_52 = arith.addi %iota3A_49, %add3A_51 : vector<512x2816xi32>
    %eq3A_53 = vector.broadcast %broadcast_in_dim3A_48 : vector<512x1xf32> to vector<512x2816xf32>
    %eq3A_54 = arith.cmpf oeq, %slice3A_45, %eq3A_53 : vector<512x2816xf32>
    %jit3A_55 = arith.constant 8192 : i32
    %broadcast_in_dim3A_56 = vector.broadcast %jit3A_55 : i32 to vector<512x2816xi32>
    %select_n3A_57 = arith.select %eq3A_54, %add3A_52, %broadcast_in_dim3A_56 : vector<512x2816xi1>, vector<512x2816xi32>
    %reduce_min3A_58 = arith.constant dense<2147483647> : vector<512xi32>
    %reduce_min3A_59 = vector.multi_reduction <minsi>, %select_n3A_57, %reduce_min3A_58 [1] : vector<512x2816xi32> to vector<512xi32>
    %broadcast_in_dim3A_60 = vector.shape_cast %reduce_min3A_59 : vector<512xi32> to vector<512x1xi32>
    %lt3A_61 = arith.cmpf olt, %broadcast_in_dim3A_48, %convert_element_type3A_44 : vector<512x1xf32>
    %select_n3A_62 = arith.select %lt3A_61, %broadcast_in_dim3A_60, %select_n3A_41 : vector<512x1xi1>, vector<512x1xi32>
    %select_n3A_63 = arith.select %lt3A_61, %broadcast_in_dim3A_48, %select_n3A_42 : vector<512x1xi1>, vector<512x1xf32>
    %swap3A = arith.constant 0 : index
    %swap3A_64 = arith.constant 0 : index
    %swap3A_65 = vector.load %arg5[%swap3A, %swap3A_64] : memref<512x1xi32, #tpu.memory_space<vmem>>, vector<512x1xi32>
    tpu.vector_store %arg5[%swap3A, %swap3A_64], %select_n3A_62 {strides = array<i32>} : memref<512x1xi32, #tpu.memory_space<vmem>>, vector<512x1xi32>,
    %swap3A_66 = arith.constant 0 : index
    %swap3A_67 = arith.constant 0 : index
    %swap3A_68 = vector.load %arg6[%swap3A_66, %swap3A_67] : memref<512x1xf32, #tpu.memory_space<vmem>>, vector<512x1xf32>
    tpu.vector_store %arg6[%swap3A_66, %swap3A_67], %select_n3A_63 {strides = array<i32>} : memref<512x1xf32, #tpu.memory_space<vmem>>, vector<512x1xf32>,
    return
  }
  func.func @transform_0(%arg0: i32) -> (i32, i32) {
    %c0_i32 = arith.constant 0 : i32
    %c0_i32_0 = arith.constant 0 : i32
    return %arg0, %c0_i32 : i32, i32
  }
  func.func @transform_1(%arg0: i32) -> (i32, i32) {
    %c0_i32 = arith.constant 0 : i32
    %c0_i32_0 = arith.constant 0 : i32
    %c0_i32_1 = arith.constant 0 : i32
    return %c0_i32, %c0_i32_0 : i32, i32
  }
  func.func @transform_2(%arg0: i32) -> (i32, i32) {
    %c0_i32 = arith.constant 0 : i32
    %c0_i32_0 = arith.constant 0 : i32
    return %arg0, %c0_i32 : i32, i32
  }
  func.func @transform_3(%arg0: i32) -> (i32, i32) {
    %c0_i32 = arith.constant 0 : i32
    %c0_i32_0 = arith.constant 0 : i32
    %c0_i32_1 = arith.constant 0 : i32
    return %c0_i32, %c0_i32_0 : i32, i32
  }
  func.func @transform_4(%arg0: i32) -> (i32, i32) {
    %c0_i32 = arith.constant 0 : i32
    %c0_i32_0 = arith.constant 0 : i32
    return %arg0, %c0_i32 : i32, i32
  }
  func.func @transform_5(%arg0: i32) -> (i32, i32) {
    %c0_i32 = arith.constant 0 : i32
    %c0_i32_0 = arith.constant 0 : i32
    return %arg0, %c0_i32 : i32, i32
  }
}

module attributes {stable_mosaic.version = 14 : i64} {
  func.func @_reduce_body(%arg0: memref<16384x1xf32, #tpu.memory_space<vmem>>, %arg1: memref<32x8192xf32, #tpu.memory_space<vmem>>, %arg2: memref<1x1xf32, #tpu.memory_space<vmem>>, %arg3: memref<1x1xf32, #tpu.memory_space<vmem>>) attributes {dimension_semantics = [], scalar_prefetch = 0 : i64, scratch_operands = 0 : i64, tpu.core_type = #tpu.core_type<tc>} {
    %get3A = arith.constant 0 : index
    %get3A_0 = arith.constant 0 : index
    %get3A_1 = vector.load %arg0[%get3A, %get3A_0] : memref<16384x1xf32, #tpu.memory_space<vmem>>, vector<16384x1xf32>
    %reduce_sum3A = vector.shape_cast %get3A_1 : vector<16384x1xf32> to vector<1x16384x1xf32>
    %reduce_sum3A_2 = arith.constant dense<0.000000e+00> : vector<1xf32>
    %reduce_sum3A_3 = vector.multi_reduction <add>, %reduce_sum3A, %reduce_sum3A_2 [1, 2] : vector<1x16384x1xf32> to vector<1xf32>
    %reduce_sum3A_4 = vector.shape_cast %reduce_sum3A_3 : vector<1xf32> to vector<1x1x1xf32>
    %reduce_sum3A_5 = vector.extract %reduce_sum3A_4[0, 0, 0] : f32 from vector<1x1x1xf32>
    %broadcast_in_dim3A = vector.broadcast %reduce_sum3A_5 : f32 to vector<1x1xf32>
    %div3A = arith.constant 0x4A800000 : f32
    %div3A_6 = vector.broadcast %div3A : f32 to vector<1x1xf32>
    %div3A_7 = arith.divf %broadcast_in_dim3A, %div3A_6 : vector<1x1xf32>
    %mul3A = arith.constant 2.500000e-01 : f32
    %mul3A_8 = vector.broadcast %mul3A : f32 to vector<1x1xf32>
    %mul3A_9 = arith.mulf %mul3A_8, %div3A_7 : vector<1x1xf32>
    %add3A = arith.addf %div3A_7, %mul3A_9 : vector<1x1xf32>
    %swap3A = arith.constant 0 : index
    %swap3A_10 = arith.constant 0 : index
    %swap3A_11 = vector.load %arg2[%swap3A, %swap3A_10] : memref<1x1xf32, #tpu.memory_space<vmem>>, vector<1x1xf32>
    tpu.vector_store %arg2[%swap3A, %swap3A_10], %add3A {strides = array<i32>} : memref<1x1xf32, #tpu.memory_space<vmem>>, vector<1x1xf32>,
    %get3A_12 = arith.constant 0 : index
    %get3A_13 = arith.constant 0 : index
    %get3A_14 = vector.load %arg1[%get3A_12, %get3A_13] : memref<32x8192xf32, #tpu.memory_space<vmem>>, vector<32x8192xf32>
    %reduce_sum3A_15 = arith.constant dense<0.000000e+00> : vector<8192xf32>
    %reduce_sum3A_16 = vector.multi_reduction <add>, %get3A_14, %reduce_sum3A_15 [0] : vector<32x8192xf32> to vector<8192xf32>
    %broadcast_in_dim3A_17 = vector.shape_cast %reduce_sum3A_16 : vector<8192xf32> to vector<1x8192xf32>
    %mul3A_18 = arith.constant 6.10351563E-5 : f32
    %mul3A_19 = vector.broadcast %mul3A_18 : f32 to vector<1x8192xf32>
    %mul3A_20 = arith.mulf %broadcast_in_dim3A_17, %mul3A_19 : vector<1x8192xf32>
    %add3A_21 = arith.constant 1.000000e-10 : f32
    %add3A_22 = vector.broadcast %add3A_21 : f32 to vector<1x8192xf32>
    %add3A_23 = arith.addf %mul3A_20, %add3A_22 : vector<1x8192xf32>
    %log3A = math.log %add3A_23 : vector<1x8192xf32>
    %mul3A_24 = arith.mulf %mul3A_20, %log3A : vector<1x8192xf32>
    %reduce_sum3A_25 = vector.shape_cast %mul3A_24 : vector<1x8192xf32> to vector<1x1x8192xf32>
    %reduce_sum3A_26 = arith.constant dense<0.000000e+00> : vector<1xf32>
    %reduce_sum3A_27 = vector.multi_reduction <add>, %reduce_sum3A_25, %reduce_sum3A_26 [1, 2] : vector<1x1x8192xf32> to vector<1xf32>
    %reduce_sum3A_28 = vector.shape_cast %reduce_sum3A_27 : vector<1xf32> to vector<1x1x1xf32>
    %reduce_sum3A_29 = vector.extract %reduce_sum3A_28[0, 0, 0] : f32 from vector<1x1x1xf32>
    %broadcast_in_dim3A_30 = vector.broadcast %reduce_sum3A_29 : f32 to vector<1x1xf32>
    %neg3A = arith.constant 0.000000e+00 : f32
    %neg3A_31 = vector.broadcast %neg3A : f32 to vector<1x1xf32>
    %neg3A_32 = arith.subf %neg3A_31, %broadcast_in_dim3A_30 : vector<1x1xf32>
    %exp3A = math.exp %neg3A_32 : vector<1x1xf32>
    %swap3A_33 = arith.constant 0 : index
    %swap3A_34 = arith.constant 0 : index
    %swap3A_35 = vector.load %arg3[%swap3A_33, %swap3A_34] : memref<1x1xf32, #tpu.memory_space<vmem>>, vector<1x1xf32>
    tpu.vector_store %arg3[%swap3A_33, %swap3A_34], %exp3A {strides = array<i32>} : memref<1x1xf32, #tpu.memory_space<vmem>>, vector<1x1xf32>,
    return
  }
}

</mosaic_0001>

<sc_bundles>
// kernel: kernel.5.cloned.1.call-start
scs
__scs_entry_jumppad:
0x0: {  	(pc) =	sbr.rel $0x88, $3  }
0x1: {  	(tag) =	ssettag $0x0;
	lr =	simm.s32 $0x1  }
0x2: {  	[smem:$0x3F9F] =	sst lr;
	_ =	strace $0xD0000000  }
0x3: {  	_ = 	snop  }
0x4: {  	_ = 	snop  }
0x5: {  	_ = 	snop  }
0x6: {  	_ = 	snop  }
0x7: {  	_ = 	snop  }
__scs_overlays_trampoline_lowered:
0x8: {  	[smem:$0x3FAE] =	sst s0  }
0x9: {  	[smem:$0x3FAF] =	sst s1  }
0xa: {  	[smem:$0x3FB0] =	sst s2  }
0xb: {  	[smem:$0x3FB1] =	sst s3  }
0xc: {  	[smem:$0x3FB2] =	sst s4  }
0xd: {  	[smem:$0x3FB3] =	sst s5  }
0xe: {  	[smem:$0x3FB4] =	sst s6  }
0xf: {  	[smem:$0x3FB5] =	sst s7  }
0x10: {  	[smem:$0x3FB6] =	sst s8  }
0x11: {  	[smem:$0x3FB7] =	sst s9;
	s0 =	simm.s32 @!p0 $0x0  }
0x12: {  	s1 =	sld [smem:$0x3F9D];
	s0 =	simm.s32 @p0 $0x1  }
0x13: {  	[smem:$0x3FB8] =	sst s0;
	s0 =	simm.s32 @!p1 $0x0  }
0x14: {  	s2 =	sld [smem:$0x3F9C];
	s0 =	simm.s32 @p1 $0x1  }
0x15: {  	[smem:$0x3FB9] =	sst s0;
	s0 =	simm.s32 @!p2 $0x0  }
0x16: {  	s3 =	sld [smem:$0x3FDB];
	s0 =	simm.s32 @p2 $0x1  }
0x17: {  	s4 =	simm.s32 $0x1BF5;
	[smem:$0x3FBB] =	sst s0  }
0x18: {  	s0 =	sld [smem:$0x3F9E];
	_ =	swait.ge [sflag:s4], $0x0  }
0x19: {  	s7 =	sld [smem:$0x3F9F]  }
0x1a: {  	s8 =	sadd.s32 $0xFFFFE003, lr  }
0x1b: {  	s9 =	sadd.s32 $0xFFFFFEF7, lr;
	s5 =	simm.s32 $0xFFFFFFFF;
	p2 =	slt.u32 s8, $0xFFFFF086  }
0x1c: {  	p1 =	slt.u32 s9, $0xF7A;
	s5 =	simm.s32 @!p2 $0x0  }
0x1d: {  	s5 =	simm.s32 @p1 $0x1;
	p0 =	seq.s32 s7, s2  }
0x1e: {  	s7 =	smul.u32 @!p0 $0xF7A, s2;
	p2 =	seq.s32 @!p0 s5, $0x0  }
0x1f: {  	s9 =	smul.u32 $0xF7A, s1;
	s8 =	simm.s32 @!p0 $0x1BF5;
	p2 =	por !p2, p0  }
0x20: {  	[sflag:s8] =	ssyncset.s32 @!p0 $0xFFFFF086;
	s6 =	sadd.s32 @!p0 s3, s7;
	s7 =	simm.s32 @!p0 $0x108  }
0x21: {  	s3 =	sadd.s32 s3, s9;
	s6 =	sadd.s32 @!p0 $0x88, s6;
	s7 =	simm.s32 @p2 $0x1082  }
0x22: {  	[simem:s7], [sflag:s8] =	dma.local @!p0 [hbm:s6], $0xF7A  }
0x23: {  	s9 =	sor.u32 $0xD0000000, s2;
	s6 =	simm.s32 $0x108;
	_ =	swait.ge @!p0 [sflag:s8], $0x0  }
0x24: {  	s3 =	sadd.s32 $0x88, s3;
	s6 =	simm.s32 @!p1 $0x1082;
	[sflag:s4] =	ssyncset.s32 $0xFFFFF086  }
0x25: {  	[simem:s6], [sflag:s4] =	dma.local [hbm:s3], $0xF7A  }
0x26: {  	[smem:$0x3F9F] =	sst s1;
	(tag) =	ssettag s2;
	_ =	strace s9  }
0x27: {  	s1 =	sld [smem:$0x3FAF]  }
0x28: {  	s2 =	sld [smem:$0x3FB0]  }
0x29: {  	s4 =	sld [smem:$0x3FB2]  }
0x2a: {  	p0 =	seq.s32 s5, $0x0;
	s5 =	sld [smem:$0x3FB3]  }
0x2b: {  	s6 =	sld [smem:$0x3FB4]  }
0x2c: {  	s7 =	sld [smem:$0x3FB5]  }
0x2d: {  	s3 =	simm.s32 $0x108;
	s8 =	sld [smem:$0x3FB6]  }
0x2e: {  	s3 =	simm.s32 @!p0 $0x1082;
	s9 =	sld [smem:$0x3FB7]  }
0x2f: {  	lr =	sadd.s32 s0, s3;
	s0 =	sld [smem:$0x3FAE]  }
0x30: {  	s3 =	sld [smem:$0x3FB1]  }
0x31: {  	[smem:$0x3FBA] =	sst s10  }
0x32: {  	s10 =	sld [smem:$0x3FB8];
	_ =	sdelay $0x3  }
0x33: {  	p0 =	seq.s32 s10, $0x1;
	s10 =	sld [smem:$0x3FBA];
	_ =	sdelay $0x3  }
0x34: {  	[smem:$0x3FBA] =	sst s10  }
0x35: {  	s10 =	sld [smem:$0x3FB9];
	_ =	sdelay $0x3  }
0x36: {  	p1 =	seq.s32 s10, $0x1;
	s10 =	sld [smem:$0x3FBA];
	_ =	sdelay $0x3  }
0x37: {  	[smem:$0x3FBA] =	sst s10  }
0x38: {  	s10 =	sld [smem:$0x3FBB]  }
0x39: {  	_ = 	snop;
	(pc) =	sbr.ind lr, $3  }
0x3a: {  	_ = 	snop  }
0x3b: {  	_ = 	snop  }
0x3c: {  	p2 =	seq.s32 s10, $0x1;
	s10 =	sld [smem:$0x3FBA]  }
0x3d: {  	_ =	shalt  }
0x3e: {  	_ =	shalt  }
0x3f: {  	_ =	shalt  }
0x40: {  	_ =	shalt  }
0x41: {  	_ =	shalt  }
0x42: {  	_ =	shalt  }
0x43: {  	_ =	shalt  }
0x44: {  	_ =	shalt  }
0x45: {  	_ =	shalt  }
0x46: {  	_ =	shalt  }
0x47: {  	_ =	shalt  }
0x48: {  	_ =	shalt  }
0x49: {  	_ =	shalt  }
0x4a: {  	_ =	shalt  }
0x4b: {  	_ =	shalt  }
0x4c: {  	_ =	shalt  }
0x4d: {  	_ =	shalt  }
0x4e: {  	_ =	shalt  }
0x4f: {  	_ =	shalt  }
0x50: {  	_ =	shalt  }
0x51: {  	_ =	shalt  }
0x52: {  	_ =	shalt  }
0x53: {  	_ =	shalt  }
0x54: {  	_ =	shalt  }
0x55: {  	_ =	shalt  }
0x56: {  	_ =	shalt  }
0x57: {  	_ =	shalt  }
0x58: {  	_ =	shalt  }
0x59: {  	_ =	shalt  }
0x5a: {  	_ =	shalt  }
0x5b: {  	_ =	shalt  }
0x5c: {  	_ =	shalt  }
0x5d: {  	_ =	shalt  }
0x5e: {  	_ =	shalt  }
0x5f: {  	_ =	shalt  }
0x60: {  	_ =	shalt  }
0x61: {  	_ =	shalt  }
0x62: {  	_ =	shalt  }
0x63: {  	_ =	shalt  }
0x64: {  	_ =	shalt  }
0x65: {  	_ =	shalt  }
0x66: {  	_ =	shalt  }
0x67: {  	_ =	shalt  }
0x68: {  	_ =	shalt  }
0x69: {  	_ =	shalt  }
0x6a: {  	_ =	shalt  }
0x6b: {  	_ =	shalt  }
0x6c: {  	_ =	shalt  }
0x6d: {  	_ =	shalt  }
0x6e: {  	_ =	shalt  }
0x6f: {  	_ =	shalt  }
0x70: {  	_ =	shalt  }
0x71: {  	_ =	shalt  }
0x72: {  	_ =	shalt  }
0x73: {  	_ =	shalt  }
0x74: {  	_ =	shalt  }
0x75: {  	_ =	shalt  }
0x76: {  	_ =	shalt  }
0x77: {  	_ =	shalt  }
0x78: {  	_ =	shalt  }
0x79: {  	_ =	shalt  }
0x7a: {  	_ =	shalt  }
0x7b: {  	_ =	shalt  }
0x7c: {  	_ =	shalt  }
0x7d: {  	_ =	shalt  }
0x7e: {  	_ =	shalt  }
0x7f: {  	_ =	shalt  }
0x80: {  	_ =	shalt  }
0x81: {  	_ =	shalt  }
0x82: {  	_ =	shalt  }
0x83: {  	_ =	shalt  }
0x84: {  	_ =	shalt  }
0x85: {  	_ =	shalt  }
0x86: {  	_ =	shalt  }
0x87: {  	_ =	shalt  }
.Lfunc_end0:
.L_simem_size_0:
called_computation_lowered:
.L_overlay_start_0:
0x88: {  	s2 =	sld [smem:$0x3FD9]  }
0x89: {  	s3 =	sld [smem:$0x3FFE];
	_ =	sdelay $0x1  }
0x8a: {  	s1 =	srdreg.scid  }
0x8b: {  	s0 =	sand.u32 $0x1, s1  }
0x8c: {  	s14 =	sshll.u32 s0, $0xA;
	s2 =	sadd.s32 s3, s2  }
0x8d: {  	s2 =	sadd.s32 s2, s14  }
0x8e: {  	[smem:$0x3FC6] =	sst s2  }
0x8f: {  	_ = 	snop  }
0x90: {  	s2 =	sld [smem:$0x3FD0];
	_ =	sdelay $0x2  }
0x91: {  	s4 =	simm.s32 $0xA;
	s5 =	simm.s32 $0x10;
	s15 =	sld [smem:$0x3FC8]  }
0x92: {  	[smem:s5], [sflag:s4] =	dma.local [hbm:s2], $0x1  }
0x93: {  	_ =	swait.eq [sflag:s4], $0x1  }
0x94: {  	[sflag:s4] =	ssyncset.done $0x0  }
0x95: {  	[sflag:s4] =	ssyncadd.s32 $0xFFFFFFFF  }
0x96: {  	s16 =	sld [smem:$0x11];
	(tm) =	ssettm $0x1  }
0x97: {  	s17 =	sld [smem:$0x3FFB];
	_ =	sdelay $0x3  }
0x98: {  	_ =	strace s17  }
0x99: {  	s4 =	sld [smem:$0x3FFC];
	_ =	sdelay $0x3  }
0x9a: {  	_ =	strace s4  }
0x9b: {  	s4 =	sld [smem:$0x3FFD];
	_ =	sdelay $0x3  }
0x9c: {  	_ =	strace s4  }
0x9d: {  	_ =	strace $0x8FFFFFFF  }
0x9e: {  	s18 =	sld [smem:$0x3FDB];
	_ =	sdelay $0x1  }
0x9f: {  	s19 =	simm.s32 $_scs_section_size  }
0xa0: {  	s6 =	simm.s32 $_size__tile_overlayer_lowered;
	s7 =	simm.s32 $_tile_overlayer_lowered  }
0xa1: {  	s22 =	simm.s32 $0x1BFF;
	s21 =	sshll.u32 s7, $0x1;
	s4 =	sadd.s32 s19, s18  }
0xa2: {  	s8 =	simm.s32 $0x0;
	s20 =	sshll.u32 s6, $0x1;
	s6 =	sadd.s32 s21, s4  }
0xa3: {  	[timem:s8], [sflag:s22] =	dma.local [hbm:s6], s20  }
0xa4: {  	_ =	swait.ge [sflag:s22], s20  }
0xa5: {  	s5 =	ssub.s32 $0x0, s20;
	[sflag:s22] =	ssyncset.done $0x0  }
0xa6: {  	[sflag:s22] =	ssyncadd.s32 s5;
	_ =	sdelay $0x1  }
0xa7: {  	s23 =	simm.s32 $0x1B8B  }
0xa8: {  	_ =	swait.ge [sflag:s23], $0x1  }
0xa9: {  	[sflag:s23] =	ssyncset.done $0x0  }
0xaa: {  	s25 =	simm.s32 $0x1B8E;
	s24 =	sld [smem:$0x3FFE];
	[sflag:s23] =	ssyncadd.s32 $0xFFFFFFFF  }
0xab: {  	s26 =	simm.s32 $execute0_lowered;
	[smem:$0x3FD2] =	sst s25  }
0xac: {  	s6 =	sshll.u32 s26, $0x1;
	_ =	strace $0x80000046;
	[dreg:$0x1] =	wrdreg $0xFFFFFFFF  }
0xad: {  	s28 =	simm.s32 $_size_execute0_lowered;
	s4 =	sadd.s32 s4, s6;
	[dreg:$0x0] =	wrdreg $0x0  }
0xae: {  	s6 =	sshll.u32 s28, $0x1;
	[dreg:$0x2] =	wrdreg s4  }
0xaf: {  	[dreg:$0x3] =	wrdreg s6  }
0xb0: {  	[dreg:$0x4] =	wrdreg $0xC0  }
0xb1: {  	_ =	task [dreg:s8], $0x5FFFF  }
0xb2: {  	[dreg:$0x1] =	wrdreg $0xFFFFFFFF  }
0xb3: {  	[dreg:$0x0] =	wrdreg $0x60  }
0xb4: {  	[dreg:$0x2] =	wrdreg s15  }
0xb5: {  	[dreg:$0x3] =	wrdreg s24  }
0xb6: {  	[dreg:$0x4] =	wrdreg s16  }
0xb7: {  	[dreg:$0x5] =	wrdreg $0x9  }
0xb8: {  	_ =	task.clear_ibuf [dreg:s8], $0x6FFFF;
	_ =	strace $0x90000046  }
0xb9: {  	s29 =	simm.s32 $0x9;
	_ =	strace $0x80000048  }
0xba: {  	_ =	swait.ge [sflag:s29], $0x1  }
0xbb: {  	[sflag:s29] =	ssyncadd.s32 $0xFFFFFFFF  }
0xbc: {  	_ =	strace $0x90000048  }
0xbd: {  	_ =	sfence  }
0xbe: {  	s30 =	sld [smem:$0x0];
	_ =	sdelay $0x2  }
0xbf: {  	s31 =	sshll.u32 s1, $0xD;
	s1 =	sshrl.u32 s1, $0x2  }
0xc0: {  	s3 =	sand.u32 $0x4000, s31;
	s1 =	sadd.s32 s1, s30  }
0xc1: {  	s0 =	sor.u32 s3, s0;
	s1 =	sshll.u32 s1, $0x11  }
0xc2: {  	s0 =	sor.u32 s1, s0  }
0xc3: {  	s0 =	sadd.s32 $0x8F2B, s0  }
0xc4: {  	[sflag:s0] =	ssyncadd.remote.s32 $0x1  }
0xc5: {  	_ =	sfence.sel $0xFFFF  }
0xc6: {  	[dreg:$0x0] =	wrdreg $0xFFFFFFFF;
	(pc) =	sbr.abs _section_cstart, $3  }
0xc7: {  	[dreg:$0x1] =	wrdreg $0xFFFFFFFF  }
0xc8: {  	_ =	task.clear_ibuf [dreg:s8], $0x2FFFF;
	_ =	strace $0x9FFFFFFF  }
0xc9: {  	(tm) =	ssettm $0x7FFFFFFF  }
tec
execute0_lowered:
.L_overlay_start_1:
0x0: {  	(tag) =	ssettag $0x1  }
0x1: {  	s1 =	rddreg [dreg:$0x0]  }
0x2: {  	s0 =	rddreg [dreg:$0x1]  }
0x3: {  	s2 =	rddreg [dreg:$0x2];
	s3 =	simm.s32 $0x0;
	s4 =	srdreg.scid  }
0x4: {  	s6 =	stileid.u32;
	s11 =	simm.s32 $0x3;
	s28 =	simm.s32 $0x2A00  }
0x5: {  	s13 =	simm.s32 $0x4A00;
	s14 =	simm.s32 $0x5A00;
	s15 =	simm.s32 $0x6A00  }
0x6: {  	s16 =	simm.s32 $0x7200;
	s29 =	simm.s32 $0x10200;
	s30 =	simm.s32 $0x8200  }
0x7: {  	s18 =	simm.s32 $0x9A00;
	s12 =	simm.s32 $0xBA00;
	s31 =	simm.s32 $0xC200  }
0x8: {  	[smem:$0x7FF] =	sst s3;
	s4 =	sand.u32 $0x1, s4;
	s5 =	sshll.u32 s6, $0x1  }
0x9: {  	s6 =	sshll.u32 s6, $0xB;
	_ =	strace $0x80000047;
	s5 =	sor.u32 s4, s5  }
0xa: {  	s6 =	sand.u32 $0x6000, s6;
	s4 =	ssub.s32 $0x2, s4;
	s7 =	sshll.u32 s5, $0x6  }
0xb: {  	s19 =	sshrl.u32 s4, $0x1;
	s20 =	sshll.u32 s5, $0xE;
	s8 =	sshll.u32 s5, $0x4  }
0xc: {  	s5 =	simm.s32 $0x200;
	s7 =	sadd.s32 s7, s0;
	s0 =	sadd.s32 s6, s0  }
0xd: {  	s4 =	ssub.s32 s4, s19;
	s22 =	sadd.s32 s2, s20;
	s23 =	sand.u32 $0x70, s8  }
0xe: {  	s2 =	simm.s32 $0x3A00;
	s8 =	simm.s32 $0x7A00;
	s20 =	simm.s32 $0x1  }
0xf: {  	s19 =	simm.s32 $0xAA00;
	s21 =	sadd.s32 $0x1600, s7;
	[dreg:$0xa] =	wrdreg s22  }
0x10: {  	s6 =	sadd.s32 $0x1000, s22;
	s24 =	sadd.s32 $0x2000, s22;
	[dreg:$0x4] =	wrdreg s21  }
0x11: {  	s0 =	sadd.s32 s23, s0;
	s25 =	sadd.s32 $0x3000, s22;
	[dreg:$0x5] =	wrdreg s6  }
0x12: {  	s26 =	smax.u32 s4, $0x1;
	s23 =	simm.s32 $0xA00;
	[dreg:$0x6] =	wrdreg s24  }
0x13: {  	s4 =	simm.s32 $0x4200;
	s7 =	simm.s32 $0x6200;
	[dreg:$0x7] =	wrdreg s25  }
0x14: {  	v2 =	vlaneseq.u32;
	vm0 =	vmmov $0xffff;
	s0 =	sadd.s32 $0x1E00, s0;
	[dreg:$0x9] =	wrdreg s26;
	s24 =	simm.s32 $0x1200  }
0x15: {  	v3 =	vimm.f32 $0.0e+00;
	v4 =	vimm.f32 $1.000000000e+00;
	v1 =	vshrl.u32 v2, $0x3;
	s25 =	simm.s32 $0x1A00;
	s26 =	simm.s32 $0x2200;
	s6 =	simm.s32 $0x5200  }
0x16: {  	v0 =	vand.u32 $0x7, v2;
	v2 =	vor.u32 $0x8, v2;
	v1 =	vmul.u32 $0x8, v1;
	s21 =	simm.s32 $0x0;
	[dreg:$0x8] =	wrdreg s0;
	s0 =	simm.s32 $0x3200  }
.LBB2_1:
0x17: {  	s22 =	rddreg [dreg:$0x4]  }
0x18: {  	[tilespmem:s3], [sflag:$0x3] =	stream.linear.gather [hbm4b:s22+s3], $0x200, $0x38;
	[tilespmem:$0x12200] =	vst v63  }
0x19: {  	_ =	swait.ge [sflag:s11], $0x200  }
0x1a: {  	[sflag:s11] =	ssyncset.done $0x0  }
0x1b: {  	[sflag:s11] =	ssyncadd.s32 $0xFFFFFE00  }
0x1c: {  	v5 =	vld [tilespmem:$0x0];
	_ =	sdelay $0x4  }
0x1d: {  	v6 =	vshll.u32 v5, $0x1  }
0x1e: {  	v5 =	vand.u32 $0x7, v5;
	v6 =	vand.u32 $0xFFFFFFF0, v6  }
0x1f: {  	v5 =	vor.u32 v5, v6  }
0x20: {  	v6 =	vperm.xlane v5, v0;
	_ =	sdelay $0x1  }
0x21: {  	v5 =	vperm.xlane v5, v2;
	v6 =	vadd.s32 v1, v6;
	_ =	sdelay $0x1  }
0x22: {  	v5 =	vadd.s32 v1, v5;
	_ =	sdelay $0x2  }
0x23: {  	[tilespmem:s5], [sflag:$0x1] =	stream.indirect_vreg.gather [hbm4b:s1+s3], $0x80, v6, vm0, $0xb8;
	[tilespmem:$0x12200] =	vst v63  }
0x24: {  	_ = 	snop  }
0x25: {  	[tilespmem:s23], [sflag:$0x1] =	stream.indirect_vreg.gather [hbm4b:s1+s3], $0x80, v5, vm0, $0xb8;
	[tilespmem:$0x12200] =	vst v63  }
0x26: {  	v5 =	vld [tilespmem:$0x10];
	_ =	sdelay $0x4  }
0x27: {  	v6 =	vshll.u32 v5, $0x1  }
0x28: {  	v5 =	vand.u32 $0x7, v5;
	v6 =	vand.u32 $0xFFFFFFF0, v6  }
0x29: {  	v5 =	vor.u32 v5, v6  }
0x2a: {  	v6 =	vperm.xlane v5, v0;
	_ =	sdelay $0x1  }
0x2b: {  	v5 =	vperm.xlane v5, v2;
	v6 =	vadd.s32 v1, v6;
	_ =	sdelay $0x1  }
0x2c: {  	v5 =	vadd.s32 v1, v5;
	_ =	sdelay $0x2  }
0x2d: {  	[tilespmem:s24], [sflag:$0x1] =	stream.indirect_vreg.gather [hbm4b:s1+s3], $0x80, v6, vm0, $0xb8;
	[tilespmem:$0x12200] =	vst v63  }
0x2e: {  	_ = 	snop  }
0x2f: {  	[tilespmem:s25], [sflag:$0x1] =	stream.indirect_vreg.gather [hbm4b:s1+s3], $0x80, v5, vm0, $0xb8;
	[tilespmem:$0x12200] =	vst v63  }
0x30: {  	v5 =	vld [tilespmem:$0x20];
	_ =	sdelay $0x4  }
0x31: {  	v6 =	vshll.u32 v5, $0x1  }
0x32: {  	v5 =	vand.u32 $0x7, v5;
	v6 =	vand.u32 $0xFFFFFFF0, v6  }
0x33: {  	v5 =	vor.u32 v5, v6  }
0x34: {  	v6 =	vperm.xlane v5, v0;
	_ =	sdelay $0x1  }
0x35: {  	v5 =	vperm.xlane v5, v2;
	v6 =	vadd.s32 v1, v6;
	_ =	sdelay $0x1  }
0x36: {  	v5 =	vadd.s32 v1, v5;
	_ =	sdelay $0x2  }
0x37: {  	[tilespmem:s26], [sflag:$0x1] =	stream.indirect_vreg.gather [hbm4b:s1+s3], $0x80, v6, vm0, $0xb8;
	[tilespmem:$0x12200] =	vst v63  }
0x38: {  	_ = 	snop  }
0x39: {  	[tilespmem:s28], [sflag:$0x1] =	stream.indirect_vreg.gather [hbm4b:s1+s3], $0x80, v5, vm0, $0xb8;
	[tilespmem:$0x12200] =	vst v63  }
0x3a: {  	v5 =	vld [tilespmem:$0x30];
	_ =	sdelay $0x4  }
0x3b: {  	v6 =	vshll.u32 v5, $0x1  }
0x3c: {  	v5 =	vand.u32 $0x7, v5;
	v6 =	vand.u32 $0xFFFFFFF0, v6  }
0x3d: {  	v5 =	vor.u32 v5, v6  }
0x3e: {  	v6 =	vperm.xlane v5, v0;
	_ =	sdelay $0x1  }
0x3f: {  	v5 =	vperm.xlane v5, v2;
	v6 =	vadd.s32 v1, v6;
	_ =	sdelay $0x1  }
0x40: {  	v5 =	vadd.s32 v1, v5;
	_ =	sdelay $0x2  }
0x41: {  	[tilespmem:s0], [sflag:$0x1] =	stream.indirect_vreg.gather [hbm4b:s1+s3], $0x80, v6, vm0, $0xb8;
	[tilespmem:$0x12200] =	vst v63  }
0x42: {  	_ = 	snop  }
0x43: {  	[tilespmem:s2], [sflag:$0x1] =	stream.indirect_vreg.gather [hbm4b:s1+s3], $0x80, v5, vm0, $0xb8;
	[tilespmem:$0x12200] =	vst v63  }
0x44: {  	v5 =	vld [tilespmem:$0x40];
	_ =	sdelay $0x4  }
0x45: {  	v6 =	vshll.u32 v5, $0x1  }
0x46: {  	v5 =	vand.u32 $0x7, v5;
	v6 =	vand.u32 $0xFFFFFFF0, v6  }
0x47: {  	v5 =	vor.u32 v5, v6  }
0x48: {  	v6 =	vperm.xlane v5, v0;
	_ =	sdelay $0x1  }
0x49: {  	v5 =	vperm.xlane v5, v2;
	v6 =	vadd.s32 v1, v6;
	_ =	sdelay $0x1  }
0x4a: {  	v5 =	vadd.s32 v1, v5;
	_ =	sdelay $0x2  }
0x4b: {  	[tilespmem:s4], [sflag:$0x1] =	stream.indirect_vreg.gather [hbm4b:s1+s3], $0x80, v6, vm0, $0xb8;
	[tilespmem:$0x12200] =	vst v63  }
0x4c: {  	_ = 	snop  }
0x4d: {  	[tilespmem:s13], [sflag:$0x1] =	stream.indirect_vreg.gather [hbm4b:s1+s3], $0x80, v5, vm0, $0xb8;
	[tilespmem:$0x12200] =	vst v63  }
0x4e: {  	v5 =	vld [tilespmem:$0x50];
	_ =	sdelay $0x4  }
0x4f: {  	v6 =	vshll.u32 v5, $0x1  }
0x50: {  	v5 =	vand.u32 $0x7, v5;
	v6 =	vand.u32 $0xFFFFFFF0, v6  }
0x51: {  	v5 =	vor.u32 v5, v6  }
0x52: {  	v6 =	vperm.xlane v5, v0;
	_ =	sdelay $0x1  }
0x53: {  	v5 =	vperm.xlane v5, v2;
	v6 =	vadd.s32 v1, v6;
	_ =	sdelay $0x1  }
0x54: {  	v5 =	vadd.s32 v1, v5;
	_ =	sdelay $0x2  }
0x55: {  	[tilespmem:s6], [sflag:$0x1] =	stream.indirect_vreg.gather [hbm4b:s1+s3], $0x80, v6, vm0, $0xb8;
	[tilespmem:$0x12200] =	vst v63  }
0x56: {  	_ = 	snop  }
0x57: {  	[tilespmem:s14], [sflag:$0x1] =	stream.indirect_vreg.gather [hbm4b:s1+s3], $0x80, v5, vm0, $0xb8;
	[tilespmem:$0x12200] =	vst v63  }
0x58: {  	v5 =	vld [tilespmem:$0x60];
	_ =	sdelay $0x4  }
0x59: {  	v6 =	vshll.u32 v5, $0x1  }
0x5a: {  	v5 =	vand.u32 $0x7, v5;
	v6 =	vand.u32 $0xFFFFFFF0, v6  }
0x5b: {  	v5 =	vor.u32 v5, v6  }
0x5c: {  	v6 =	vperm.xlane v5, v0;
	_ =	sdelay $0x1  }
0x5d: {  	v5 =	vperm.xlane v5, v2;
	v6 =	vadd.s32 v1, v6;
	_ =	sdelay $0x1  }
0x5e: {  	v5 =	vadd.s32 v1, v5;
	_ =	sdelay $0x2  }
0x5f: {  	[tilespmem:s7], [sflag:$0x1] =	stream.indirect_vreg.gather [hbm4b:s1+s3], $0x80, v6, vm0, $0xb8;
	[tilespmem:$0x12200] =	vst v63  }
0x60: {  	_ = 	snop  }
0x61: {  	[tilespmem:s15], [sflag:$0x1] =	stream.indirect_vreg.gather [hbm4b:s1+s3], $0x80, v5, vm0, $0xb8;
	[tilespmem:$0x12200] =	vst v63  }
0x62: {  	v5 =	vld [tilespmem:$0x70];
	_ =	sdelay $0x4  }
0x63: {  	v6 =	vshll.u32 v5, $0x1  }
0x64: {  	v5 =	vand.u32 $0x7, v5;
	v6 =	vand.u32 $0xFFFFFFF0, v6  }
0x65: {  	v5 =	vor.u32 v5, v6  }
0x66: {  	v6 =	vperm.xlane v5, v0;
	_ =	sdelay $0x1  }
0x67: {  	v5 =	vperm.xlane v5, v2;
	v6 =	vadd.s32 v1, v6;
	_ =	sdelay $0x1  }
0x68: {  	v5 =	vadd.s32 v1, v5;
	_ =	sdelay $0x2  }
0x69: {  	[tilespmem:s16], [sflag:$0x1] =	stream.indirect_vreg.gather [hbm4b:s1+s3], $0x80, v6, vm0, $0xb8;
	[tilespmem:$0x12200] =	vst v63  }
0x6a: {  	s22 =	simm.s32 $0x40;
	s23 =	simm.s32 $0x0  }
0x6b: {  	[tilespmem:s8], [sflag:$0x1] =	stream.indirect_vreg.gather [hbm4b:s1+s3], $0x80, v5, vm0, $0xb8;
	[tilespmem:$0x12200] =	vst v63  }
.LBB2_2:
0x6c: {  	p0 =	sne.s32 s22, $0x7FC0;
	[tilespmem:s23+$0x10200] =	vst v3;
	s23 =	smov.u32 s22;
	s22 =	sadd.s32 $0x40, s22  }
.Ltmp0:
0x6d: {  	(pc) =	sbr.rel @p0 .LBB2_2-.Ltmp0, $2  }
0x6e: {  	_ =	sdelay $0x2  }
0x6f: {  	s23 =	sshra.s32 s23, $0x2  }
0x70: {  	[tilespmem:s23+$0x10200] =	vst v3  }
0x71: {  	v5 =	vld [tilespmem:$0x0];
	_ =	sdelay $0x7  }
0x72: {  	[tilespmem:v5+s29+$0x0] =	vst.idx.add.f32.msk $0xffff, v4  }
0x73: {  	v5 =	vld [tilespmem:$0x10];
	_ =	sdelay $0x7  }
0x74: {  	[tilespmem:v5+s29+$0x0] =	vst.idx.add.f32.msk $0xffff, v4  }
0x75: {  	v5 =	vld [tilespmem:$0x20];
	_ =	sdelay $0x7  }
0x76: {  	[tilespmem:v5+s29+$0x0] =	vst.idx.add.f32.msk $0xffff, v4  }
0x77: {  	v5 =	vld [tilespmem:$0x30];
	_ =	sdelay $0x7  }
0x78: {  	[tilespmem:v5+s29+$0x0] =	vst.idx.add.f32.msk $0xffff, v4  }
0x79: {  	v5 =	vld [tilespmem:$0x40];
	_ =	sdelay $0x7  }
0x7a: {  	[tilespmem:v5+s29+$0x0] =	vst.idx.add.f32.msk $0xffff, v4  }
0x7b: {  	v5 =	vld [tilespmem:$0x50];
	_ =	sdelay $0x7  }
0x7c: {  	[tilespmem:v5+s29+$0x0] =	vst.idx.add.f32.msk $0xffff, v4  }
0x7d: {  	v5 =	vld [tilespmem:$0x60];
	_ =	sdelay $0x7  }
0x7e: {  	[tilespmem:v5+s29+$0x0] =	vst.idx.add.f32.msk $0xffff, v4  }
0x7f: {  	v5 =	vld [tilespmem:$0x70];
	_ =	sdelay $0x7  }
0x80: {  	[tilespmem:v5+s29+$0x0] =	vst.idx.add.f32.msk $0xffff, v4  }
0x81: {  	v5 =	vld [tilespmem:$0x80];
	_ =	sdelay $0x7  }
0x82: {  	[tilespmem:v5+s29+$0x0] =	vst.idx.add.f32.msk $0xffff, v4  }
0x83: {  	v5 =	vld [tilespmem:$0x90];
	_ =	sdelay $0x7  }
0x84: {  	[tilespmem:v5+s29+$0x0] =	vst.idx.add.f32.msk $0xffff, v4  }
0x85: {  	v5 =	vld [tilespmem:$0xA0];
	_ =	sdelay $0x7  }
0x86: {  	[tilespmem:v5+s29+$0x0] =	vst.idx.add.f32.msk $0xffff, v4  }
0x87: {  	v5 =	vld [tilespmem:$0xB0];
	_ =	sdelay $0x7  }
0x88: {  	[tilespmem:v5+s29+$0x0] =	vst.idx.add.f32.msk $0xffff, v4  }
0x89: {  	v5 =	vld [tilespmem:$0xC0];
	_ =	sdelay $0x7  }
0x8a: {  	[tilespmem:v5+s29+$0x0] =	vst.idx.add.f32.msk $0xffff, v4  }
0x8b: {  	v5 =	vld [tilespmem:$0xD0];
	_ =	sdelay $0x7  }
0x8c: {  	[tilespmem:v5+s29+$0x0] =	vst.idx.add.f32.msk $0xffff, v4  }
0x8d: {  	v5 =	vld [tilespmem:$0xE0];
	_ =	sdelay $0x7  }
0x8e: {  	[tilespmem:v5+s29+$0x0] =	vst.idx.add.f32.msk $0xffff, v4  }
0x8f: {  	v5 =	vld [tilespmem:$0xF0];
	_ =	sdelay $0x7  }
0x90: {  	[tilespmem:v5+s29+$0x0] =	vst.idx.add.f32.msk $0xffff, v4  }
0x91: {  	v5 =	vld [tilespmem:$0x100];
	_ =	sdelay $0x7  }
0x92: {  	[tilespmem:v5+s29+$0x0] =	vst.idx.add.f32.msk $0xffff, v4  }
0x93: {  	v5 =	vld [tilespmem:$0x110];
	_ =	sdelay $0x7  }
0x94: {  	[tilespmem:v5+s29+$0x0] =	vst.idx.add.f32.msk $0xffff, v4  }
0x95: {  	v5 =	vld [tilespmem:$0x120];
	_ =	sdelay $0x7  }
0x96: {  	[tilespmem:v5+s29+$0x0] =	vst.idx.add.f32.msk $0xffff, v4  }
0x97: {  	v5 =	vld [tilespmem:$0x130];
	_ =	sdelay $0x7  }
0x98: {  	[tilespmem:v5+s29+$0x0] =	vst.idx.add.f32.msk $0xffff, v4  }
0x99: {  	v5 =	vld [tilespmem:$0x140];
	_ =	sdelay $0x7  }
0x9a: {  	[tilespmem:v5+s29+$0x0] =	vst.idx.add.f32.msk $0xffff, v4  }
0x9b: {  	v5 =	vld [tilespmem:$0x150];
	_ =	sdelay $0x7  }
0x9c: {  	[tilespmem:v5+s29+$0x0] =	vst.idx.add.f32.msk $0xffff, v4  }
0x9d: {  	v5 =	vld [tilespmem:$0x160];
	_ =	sdelay $0x7  }
0x9e: {  	[tilespmem:v5+s29+$0x0] =	vst.idx.add.f32.msk $0xffff, v4  }
0x9f: {  	v5 =	vld [tilespmem:$0x170];
	_ =	sdelay $0x7  }
0xa0: {  	[tilespmem:v5+s29+$0x0] =	vst.idx.add.f32.msk $0xffff, v4  }
0xa1: {  	v5 =	vld [tilespmem:$0x180];
	_ =	sdelay $0x7  }
0xa2: {  	[tilespmem:v5+s29+$0x0] =	vst.idx.add.f32.msk $0xffff, v4  }
0xa3: {  	v5 =	vld [tilespmem:$0x190];
	_ =	sdelay $0x7  }
0xa4: {  	[tilespmem:v5+s29+$0x0] =	vst.idx.add.f32.msk $0xffff, v4  }
0xa5: {  	v5 =	vld [tilespmem:$0x1A0];
	_ =	sdelay $0x7  }
0xa6: {  	[tilespmem:v5+s29+$0x0] =	vst.idx.add.f32.msk $0xffff, v4  }
0xa7: {  	v5 =	vld [tilespmem:$0x1B0];
	_ =	sdelay $0x7  }
0xa8: {  	[tilespmem:v5+s29+$0x0] =	vst.idx.add.f32.msk $0xffff, v4  }
0xa9: {  	v5 =	vld [tilespmem:$0x1C0];
	_ =	sdelay $0x7  }
0xaa: {  	[tilespmem:v5+s29+$0x0] =	vst.idx.add.f32.msk $0xffff, v4  }
0xab: {  	v5 =	vld [tilespmem:$0x1D0];
	_ =	sdelay $0x7  }
0xac: {  	[tilespmem:v5+s29+$0x0] =	vst.idx.add.f32.msk $0xffff, v4  }
0xad: {  	v5 =	vld [tilespmem:$0x1E0];
	_ =	sdelay $0x7  }
0xae: {  	[tilespmem:v5+s29+$0x0] =	vst.idx.add.f32.msk $0xffff, v4  }
0xaf: {  	v5 =	vld [tilespmem:$0x1F0];
	_ =	sdelay $0x7  }
0xb0: {  	[tilespmem:v5+s29+$0x0] =	vst.idx.add.f32.msk $0xffff, v4  }
0xb1: {  	_ =	swait.ge [sflag:s20], $0x8000  }
0xb2: {  	[sflag:s20] =	ssyncset.done $0x0  }
0xb3: {  	[sflag:s20] =	ssyncadd.s32 $0xFFFF8000  }
0xb4: {  	v5 =	vld [tilespmem:$0x80];
	_ =	sdelay $0x4  }
0xb5: {  	v6 =	vshll.u32 v5, $0x1  }
0xb6: {  	v5 =	vand.u32 $0x7, v5;
	v6 =	vand.u32 $0xFFFFFFF0, v6  }
0xb7: {  	v5 =	vor.u32 v5, v6  }
0xb8: {  	v6 =	vperm.xlane v5, v0;
	_ =	sdelay $0x1  }
0xb9: {  	v5 =	vperm.xlane v5, v2;
	v6 =	vadd.s32 v1, v6;
	_ =	sdelay $0x1  }
0xba: {  	v5 =	vadd.s32 v1, v5;
	_ =	sdelay $0x2  }
0xbb: {  	[tilespmem:s30], [sflag:$0x2] =	stream.indirect_vreg.gather [hbm4b:s1+s3], $0x80, v6, vm0, $0xb8;
	[tilespmem:$0x12200] =	vst v63  }
0xbc: {  	s17 =	simm.s32 $0x8A00  }
0xbd: {  	[tilespmem:s17], [sflag:$0x2] =	stream.indirect_vreg.gather [hbm4b:s1+s3], $0x80, v5, vm0, $0xb8;
	[tilespmem:$0x12200] =	vst v63  }
0xbe: {  	v5 =	vld [tilespmem:$0x90];
	_ =	sdelay $0x4  }
0xbf: {  	v6 =	vshll.u32 v5, $0x1  }
0xc0: {  	v5 =	vand.u32 $0x7, v5;
	v6 =	vand.u32 $0xFFFFFFF0, v6  }
0xc1: {  	v5 =	vor.u32 v5, v6  }
0xc2: {  	v6 =	vperm.xlane v5, v0;
	_ =	sdelay $0x1  }
0xc3: {  	v5 =	vperm.xlane v5, v2;
	v6 =	vadd.s32 v1, v6;
	_ =	sdelay $0x1  }
0xc4: {  	v5 =	vadd.s32 v1, v5;
	_ =	sdelay $0x1  }
0xc5: {  	s0 =	simm.s32 $0x9200  }
0xc6: {  	[tilespmem:s0], [sflag:$0x2] =	stream.indirect_vreg.gather [hbm4b:s1+s3], $0x80, v6, vm0, $0xb8;
	[tilespmem:$0x12200] =	vst v63  }
0xc7: {  	_ = 	snop  }
0xc8: {  	[tilespmem:s18], [sflag:$0x2] =	stream.indirect_vreg.gather [hbm4b:s1+s3], $0x80, v5, vm0, $0xb8;
	[tilespmem:$0x12200] =	vst v63  }
0xc9: {  	v5 =	vld [tilespmem:$0xA0];
	_ =	sdelay $0x4  }
0xca: {  	v6 =	vshll.u32 v5, $0x1  }
0xcb: {  	v5 =	vand.u32 $0x7, v5;
	v6 =	vand.u32 $0xFFFFFFF0, v6  }
0xcc: {  	v5 =	vor.u32 v5, v6  }
0xcd: {  	v6 =	vperm.xlane v5, v0;
	_ =	sdelay $0x1  }
0xce: {  	v5 =	vperm.xlane v5, v2;
	v6 =	vadd.s32 v1, v6;
	_ =	sdelay $0x1  }
0xcf: {  	v5 =	vadd.s32 v1, v5;
	_ =	sdelay $0x1  }
0xd0: {  	s10 =	simm.s32 $0xA200  }
0xd1: {  	[tilespmem:s10], [sflag:$0x2] =	stream.indirect_vreg.gather [hbm4b:s1+s3], $0x80, v6, vm0, $0xb8;
	[tilespmem:$0x12200] =	vst v63  }
0xd2: {  	_ = 	snop  }
0xd3: {  	[tilespmem:s19], [sflag:$0x2] =	stream.indirect_vreg.gather [hbm4b:s1+s3], $0x80, v5, vm0, $0xb8;
	[tilespmem:$0x12200] =	vst v63  }
0xd4: {  	v5 =	vld [tilespmem:$0xB0];
	_ =	sdelay $0x4  }
0xd5: {  	v6 =	vshll.u32 v5, $0x1  }
0xd6: {  	v5 =	vand.u32 $0x7, v5;
	v6 =	vand.u32 $0xFFFFFFF0, v6  }
0xd7: {  	v5 =	vor.u32 v5, v6  }
0xd8: {  	v6 =	vperm.xlane v5, v0;
	_ =	sdelay $0x1  }
0xd9: {  	v5 =	vperm.xlane v5, v2;
	v6 =	vadd.s32 v1, v6;
	_ =	sdelay $0x1  }
0xda: {  	v5 =	vadd.s32 v1, v5;
	_ =	sdelay $0x1  }
0xdb: {  	s5 =	simm.s32 $0xB200  }
0xdc: {  	[tilespmem:s5], [sflag:$0x2] =	stream.indirect_vreg.gather [hbm4b:s1+s3], $0x80, v6, vm0, $0xb8;
	[tilespmem:$0x12200] =	vst v63  }
0xdd: {  	_ = 	snop  }
0xde: {  	[tilespmem:s12], [sflag:$0x2] =	stream.indirect_vreg.gather [hbm4b:s1+s3], $0x80, v5, vm0, $0xb8;
	[tilespmem:$0x12200] =	vst v63  }
0xdf: {  	v5 =	vld [tilespmem:$0xC0];
	_ =	sdelay $0x4  }
0xe0: {  	v6 =	vshll.u32 v5, $0x1  }
0xe1: {  	v5 =	vand.u32 $0x7, v5;
	v6 =	vand.u32 $0xFFFFFFF0, v6  }
0xe2: {  	v5 =	vor.u32 v5, v6  }
0xe3: {  	v6 =	vperm.xlane v5, v0;
	_ =	sdelay $0x1  }
0xe4: {  	v5 =	vperm.xlane v5, v2;
	v6 =	vadd.s32 v1, v6;
	_ =	sdelay $0x1  }
0xe5: {  	v5 =	vadd.s32 v1, v5;
	_ =	sdelay $0x2  }
0xe6: {  	[tilespmem:s31], [sflag:$0x2] =	stream.indirect_vreg.gather [hbm4b:s1+s3], $0x80, v6, vm0, $0xb8;
	[tilespmem:$0x12200] =	vst v63  }
0xe7: {  	s6 =	simm.s32 $0xCA00  }
0xe8: {  	[tilespmem:s6], [sflag:$0x2] =	stream.indirect_vreg.gather [hbm4b:s1+s3], $0x80, v5, vm0, $0xb8;
	[tilespmem:$0x12200] =	vst v63  }
0xe9: {  	v5 =	vld [tilespmem:$0xD0];
	_ =	sdelay $0x4  }
0xea: {  	v6 =	vshll.u32 v5, $0x1  }
0xeb: {  	v5 =	vand.u32 $0x7, v5;
	v6 =	vand.u32 $0xFFFFFFF0, v6  }
0xec: {  	v5 =	vor.u32 v5, v6  }
0xed: {  	v6 =	vperm.xlane v5, v0;
	_ =	sdelay $0x1  }
0xee: {  	v5 =	vperm.xlane v5, v2;
	v6 =	vadd.s32 v1, v6;
	_ =	sdelay $0x1  }
0xef: {  	v5 =	vadd.s32 v1, v5;
	_ =	sdelay $0x1  }
0xf0: {  	s7 =	simm.s32 $0xD200  }
0xf1: {  	[tilespmem:s7], [sflag:$0x2] =	stream.indirect_vreg.gather [hbm4b:s1+s3], $0x80, v6, vm0, $0xb8;
	[tilespmem:$0x12200] =	vst v63  }
0xf2: {  	s8 =	simm.s32 $0xDA00  }
0xf3: {  	[tilespmem:s8], [sflag:$0x2] =	stream.indirect_vreg.gather [hbm4b:s1+s3], $0x80, v5, vm0, $0xb8;
	[tilespmem:$0x12200] =	vst v63  }
0xf4: {  	v5 =	vld [tilespmem:$0xE0];
	_ =	sdelay $0x4  }
0xf5: {  	v6 =	vshll.u32 v5, $0x1  }
0xf6: {  	v5 =	vand.u32 $0x7, v5;
	v6 =	vand.u32 $0xFFFFFFF0, v6  }
0xf7: {  	v5 =	vor.u32 v5, v6  }
0xf8: {  	v6 =	vperm.xlane v5, v0;
	_ =	sdelay $0x1  }
0xf9: {  	v5 =	vperm.xlane v5, v2;
	v6 =	vadd.s32 v1, v6;
	_ =	sdelay $0x1  }
0xfa: {  	v5 =	vadd.s32 v1, v5;
	_ =	sdelay $0x1  }
0xfb: {  	s9 =	simm.s32 $0xE200  }
0xfc: {  	[tilespmem:s9], [sflag:$0x2] =	stream.indirect_vreg.gather [hbm4b:s1+s3], $0x80, v6, vm0, $0xb8;
	[tilespmem:$0x12200] =	vst v63  }
0xfd: {  	s13 =	simm.s32 $0xEA00  }
0xfe: {  	[tilespmem:s13], [sflag:$0x2] =	stream.indirect_vreg.gather [hbm4b:s1+s3], $0x80, v5, vm0, $0xb8;
	[tilespmem:$0x12200] =	vst v63  }
0xff: {  	v5 =	vld [tilespmem:$0xF0];
	_ =	sdelay $0x4  }
0x100: {  	v6 =	vshll.u32 v5, $0x1  }
0x101: {  	v5 =	vand.u32 $0x7, v5;
	v6 =	vand.u32 $0xFFFFFFF0, v6  }
0x102: {  	v5 =	vor.u32 v5, v6  }
0x103: {  	v6 =	vperm.xlane v5, v0;
	_ =	sdelay $0x1  }
0x104: {  	v5 =	vperm.xlane v5, v2;
	v6 =	vadd.s32 v1, v6;
	_ =	sdelay $0x1  }
0x105: {  	v5 =	vadd.s32 v1, v5;
	_ =	sdelay $0x1  }
0x106: {  	s14 =	simm.s32 $0xF200  }
0x107: {  	[tilespmem:s14], [sflag:$0x2] =	stream.indirect_vreg.gather [hbm4b:s1+s3], $0x80, v6, vm0, $0xb8;
	[tilespmem:$0x12200] =	vst v63  }
0x108: {  	s15 =	simm.s32 $0xFA00  }
0x109: {  	[tilespmem:s15], [sflag:$0x2] =	stream.indirect_vreg.gather [hbm4b:s1+s3], $0x80, v5, vm0, $0xb8;
	[tilespmem:$0x12200] =	vst v63  }
0x10a: {  	s2 =	simm.s32 $0x200;
	s16 =	rddreg [dreg:$0xa]  }
0x10b: {  	[hbm4b:s16+s3] =	stream.linear.scatter [tilespmem:s2], [sflag:$0x3], $0x8000, $0x38;
	[tilespmem:$0x12200] =	vst v63  }
0x10c: {  	_ =	swait.ge [sflag:s11], $0x8000  }
0x10d: {  	[sflag:s11] =	ssyncset.done $0x0  }
0x10e: {  	s9 =	simm.s32 $0x2;
	[sflag:s11] =	ssyncadd.s32 $0xFFFF8000  }
0x10f: {  	_ =	swait.ge [sflag:s9], $0x8000  }
0x110: {  	[sflag:s9] =	ssyncset.done $0x0  }
0x111: {  	[sflag:s9] =	ssyncadd.s32 $0xFFFF8000  }
0x112: {  	v5 =	vld [tilespmem:$0x100];
	_ =	sdelay $0x4  }
0x113: {  	v6 =	vshll.u32 v5, $0x1  }
0x114: {  	v5 =	vand.u32 $0x7, v5;
	v6 =	vand.u32 $0xFFFFFFF0, v6  }
0x115: {  	v5 =	vor.u32 v5, v6  }
0x116: {  	v6 =	vperm.xlane v5, v0;
	_ =	sdelay $0x1  }
0x117: {  	v5 =	vperm.xlane v5, v2;
	v6 =	vadd.s32 v1, v6;
	_ =	sdelay $0x1  }
0x118: {  	v5 =	vadd.s32 v1, v5;
	_ =	sdelay $0x2  }
0x119: {  	[tilespmem:s2], [sflag:$0x1] =	stream.indirect_vreg.gather [hbm4b:s1+s3], $0x80, v6, vm0, $0xb8;
	[tilespmem:$0x12200] =	vst v63  }
0x11a: {  	s23 =	simm.s32 $0xA00  }
0x11b: {  	[tilespmem:s23], [sflag:$0x1] =	stream.indirect_vreg.gather [hbm4b:s1+s3], $0x80, v5, vm0, $0xb8;
	[tilespmem:$0x12200] =	vst v63  }
0x11c: {  	v5 =	vld [tilespmem:$0x110];
	_ =	sdelay $0x4  }
0x11d: {  	v6 =	vshll.u32 v5, $0x1  }
0x11e: {  	v5 =	vand.u32 $0x7, v5;
	v6 =	vand.u32 $0xFFFFFFF0, v6  }
0x11f: {  	v5 =	vor.u32 v5, v6  }
0x120: {  	v6 =	vperm.xlane v5, v0;
	_ =	sdelay $0x1  }
0x121: {  	v5 =	vperm.xlane v5, v2;
	v6 =	vadd.s32 v1, v6;
	_ =	sdelay $0x1  }
0x122: {  	v5 =	vadd.s32 v1, v5;
	_ =	sdelay $0x1  }
0x123: {  	s24 =	simm.s32 $0x1200  }
0x124: {  	[tilespmem:s24], [sflag:$0x1] =	stream.indirect_vreg.gather [hbm4b:s1+s3], $0x80, v6, vm0, $0xb8;
	[tilespmem:$0x12200] =	vst v63  }
0x125: {  	s25 =	simm.s32 $0x1A00  }
0x126: {  	[tilespmem:s25], [sflag:$0x1] =	stream.indirect_vreg.gather [hbm4b:s1+s3], $0x80, v5, vm0, $0xb8;
	[tilespmem:$0x12200] =	vst v63  }
0x127: {  	v5 =	vld [tilespmem:$0x120];
	_ =	sdelay $0x4  }
0x128: {  	v6 =	vshll.u32 v5, $0x1  }
0x129: {  	v5 =	vand.u32 $0x7, v5;
	v6 =	vand.u32 $0xFFFFFFF0, v6  }
0x12a: {  	v5 =	vor.u32 v5, v6  }
0x12b: {  	v6 =	vperm.xlane v5, v0;
	_ =	sdelay $0x1  }
0x12c: {  	v5 =	vperm.xlane v5, v2;
	v6 =	vadd.s32 v1, v6;
	_ =	sdelay $0x1  }
0x12d: {  	v5 =	vadd.s32 v1, v5;
	_ =	sdelay $0x1  }
0x12e: {  	s26 =	simm.s32 $0x2200  }
0x12f: {  	[tilespmem:s26], [sflag:$0x1] =	stream.indirect_vreg.gather [hbm4b:s1+s3], $0x80, v6, vm0, $0xb8;
	[tilespmem:$0x12200] =	vst v63  }
0x130: {  	s28 =	simm.s32 $0x2A00  }
0x131: {  	[tilespmem:s28], [sflag:$0x1] =	stream.indirect_vreg.gather [hbm4b:s1+s3], $0x80, v5, vm0, $0xb8;
	[tilespmem:$0x12200] =	vst v63  }
0x132: {  	v5 =	vld [tilespmem:$0x130];
	_ =	sdelay $0x4  }
0x133: {  	v6 =	vshll.u32 v5, $0x1  }
0x134: {  	v5 =	vand.u32 $0x7, v5;
	v6 =	vand.u32 $0xFFFFFFF0, v6  }
0x135: {  	v5 =	vor.u32 v5, v6  }
0x136: {  	v6 =	vperm.xlane v5, v0;
	_ =	sdelay $0x1  }
0x137: {  	v5 =	vperm.xlane v5, v2;
	v6 =	vadd.s32 v1, v6;
	_ =	sdelay $0x1  }
0x138: {  	v5 =	vadd.s32 v1, v5;
	_ =	sdelay $0x1  }
0x139: {  	s0 =	simm.s32 $0x3200  }
0x13a: {  	[tilespmem:s0], [sflag:$0x1] =	stream.indirect_vreg.gather [hbm4b:s1+s3], $0x80, v6, vm0, $0xb8;
	[tilespmem:$0x12200] =	vst v63  }
0x13b: {  	s2 =	simm.s32 $0x3A00  }
0x13c: {  	[tilespmem:s2], [sflag:$0x1] =	stream.indirect_vreg.gather [hbm4b:s1+s3], $0x80, v5, vm0, $0xb8;
	[tilespmem:$0x12200] =	vst v63  }
0x13d: {  	v5 =	vld [tilespmem:$0x140];
	_ =	sdelay $0x4  }
0x13e: {  	v6 =	vshll.u32 v5, $0x1  }
0x13f: {  	v5 =	vand.u32 $0x7, v5;
	v6 =	vand.u32 $0xFFFFFFF0, v6  }
0x140: {  	v5 =	vor.u32 v5, v6  }
0x141: {  	v6 =	vperm.xlane v5, v0;
	_ =	sdelay $0x1  }
0x142: {  	v5 =	vperm.xlane v5, v2;
	v6 =	vadd.s32 v1, v6;
	_ =	sdelay $0x1  }
0x143: {  	v5 =	vadd.s32 v1, v5;
	_ =	sdelay $0x1  }
0x144: {  	s4 =	simm.s32 $0x4200  }
0x145: {  	[tilespmem:s4], [sflag:$0x1] =	stream.indirect_vreg.gather [hbm4b:s1+s3], $0x80, v6, vm0, $0xb8;
	[tilespmem:$0x12200] =	vst v63  }
0x146: {  	s13 =	simm.s32 $0x4A00  }
0x147: {  	[tilespmem:s13], [sflag:$0x1] =	stream.indirect_vreg.gather [hbm4b:s1+s3], $0x80, v5, vm0, $0xb8;
	[tilespmem:$0x12200] =	vst v63  }
0x148: {  	v5 =	vld [tilespmem:$0x150];
	_ =	sdelay $0x4  }
0x149: {  	v6 =	vshll.u32 v5, $0x1  }
0x14a: {  	v5 =	vand.u32 $0x7, v5;
	v6 =	vand.u32 $0xFFFFFFF0, v6  }
0x14b: {  	v5 =	vor.u32 v5, v6  }
0x14c: {  	v6 =	vperm.xlane v5, v0;
	_ =	sdelay $0x1  }
0x14d: {  	v5 =	vperm.xlane v5, v2;
	v6 =	vadd.s32 v1, v6;
	_ =	sdelay $0x1  }
0x14e: {  	v5 =	vadd.s32 v1, v5;
	_ =	sdelay $0x1  }
0x14f: {  	s6 =	simm.s32 $0x5200  }
0x150: {  	[tilespmem:s6], [sflag:$0x1] =	stream.indirect_vreg.gather [hbm4b:s1+s3], $0x80, v6, vm0, $0xb8;
	[tilespmem:$0x12200] =	vst v63  }
0x151: {  	s14 =	simm.s32 $0x5A00  }
0x152: {  	[tilespmem:s14], [sflag:$0x1] =	stream.indirect_vreg.gather [hbm4b:s1+s3], $0x80, v5, vm0, $0xb8;
	[tilespmem:$0x12200] =	vst v63  }
0x153: {  	v5 =	vld [tilespmem:$0x160];
	_ =	sdelay $0x4  }
0x154: {  	v6 =	vshll.u32 v5, $0x1  }
0x155: {  	v5 =	vand.u32 $0x7, v5;
	v6 =	vand.u32 $0xFFFFFFF0, v6  }
0x156: {  	v5 =	vor.u32 v5, v6  }
0x157: {  	v6 =	vperm.xlane v5, v0;
	_ =	sdelay $0x1  }
0x158: {  	v5 =	vperm.xlane v5, v2;
	v6 =	vadd.s32 v1, v6;
	_ =	sdelay $0x1  }
0x159: {  	v5 =	vadd.s32 v1, v5;
	_ =	sdelay $0x1  }
0x15a: {  	s7 =	simm.s32 $0x6200  }
0x15b: {  	[tilespmem:s7], [sflag:$0x1] =	stream.indirect_vreg.gather [hbm4b:s1+s3], $0x80, v6, vm0, $0xb8;
	[tilespmem:$0x12200] =	vst v63  }
0x15c: {  	s15 =	simm.s32 $0x6A00  }
0x15d: {  	[tilespmem:s15], [sflag:$0x1] =	stream.indirect_vreg.gather [hbm4b:s1+s3], $0x80, v5, vm0, $0xb8;
	[tilespmem:$0x12200] =	vst v63  }
0x15e: {  	v5 =	vld [tilespmem:$0x170];
	_ =	sdelay $0x4  }
0x15f: {  	v6 =	vshll.u32 v5, $0x1  }
0x160: {  	v5 =	vand.u32 $0x7, v5;
	v6 =	vand.u32 $0xFFFFFFF0, v6  }
0x161: {  	v5 =	vor.u32 v5, v6  }
0x162: {  	v6 =	vperm.xlane v5, v0;
	_ =	sdelay $0x1  }
0x163: {  	v5 =	vperm.xlane v5, v2;
	v6 =	vadd.s32 v1, v6;
	_ =	sdelay $0x1  }
0x164: {  	v5 =	vadd.s32 v1, v5;
	_ =	sdelay $0x1  }
0x165: {  	s16 =	simm.s32 $0x7200  }
0x166: {  	[tilespmem:s16], [sflag:$0x1] =	stream.indirect_vreg.gather [hbm4b:s1+s3], $0x80, v6, vm0, $0xb8;
	[tilespmem:$0x12200] =	vst v63  }
0x167: {  	s8 =	simm.s32 $0x7A00  }
0x168: {  	[tilespmem:s8], [sflag:$0x1] =	stream.indirect_vreg.gather [hbm4b:s1+s3], $0x80, v5, vm0, $0xb8;
	[tilespmem:$0x12200] =	vst v63  }
0x169: {  	s22 =	rddreg [dreg:$0x5]  }
0x16a: {  	[hbm4b:s22+s3] =	stream.linear.scatter [tilespmem:s30], [sflag:$0x3], $0x8000, $0x38;
	[tilespmem:$0x12200] =	vst v63  }
0x16b: {  	_ =	swait.ge [sflag:s11], $0x8000  }
0x16c: {  	[sflag:s11] =	ssyncset.done $0x0  }
0x16d: {  	[sflag:s11] =	ssyncadd.s32 $0xFFFF8000  }
0x16e: {  	_ =	swait.ge [sflag:s20], $0x8000  }
0x16f: {  	[sflag:s20] =	ssyncset.done $0x0  }
0x170: {  	[sflag:s20] =	ssyncadd.s32 $0xFFFF8000  }
0x171: {  	v5 =	vld [tilespmem:$0x180];
	_ =	sdelay $0x4  }
0x172: {  	v6 =	vshll.u32 v5, $0x1  }
0x173: {  	v5 =	vand.u32 $0x7, v5;
	v6 =	vand.u32 $0xFFFFFFF0, v6  }
0x174: {  	v5 =	vor.u32 v5, v6  }
0x175: {  	v6 =	vperm.xlane v5, v0;
	_ =	sdelay $0x1  }
0x176: {  	v5 =	vperm.xlane v5, v2;
	v6 =	vadd.s32 v1, v6;
	_ =	sdelay $0x1  }
0x177: {  	v5 =	vadd.s32 v1, v5;
	_ =	sdelay $0x2  }
0x178: {  	[tilespmem:s30], [sflag:$0x2] =	stream.indirect_vreg.gather [hbm4b:s1+s3], $0x80, v6, vm0, $0xb8;
	[tilespmem:$0x12200] =	vst v63  }
0x179: {  	_ = 	snop  }
0x17a: {  	[tilespmem:s17], [sflag:$0x2] =	stream.indirect_vreg.gather [hbm4b:s1+s3], $0x80, v5, vm0, $0xb8;
	[tilespmem:$0x12200] =	vst v63  }
0x17b: {  	v5 =	vld [tilespmem:$0x190];
	_ =	sdelay $0x4  }
0x17c: {  	v6 =	vshll.u32 v5, $0x1  }
0x17d: {  	v5 =	vand.u32 $0x7, v5;
	v6 =	vand.u32 $0xFFFFFFF0, v6  }
0x17e: {  	v5 =	vor.u32 v5, v6  }
0x17f: {  	v6 =	vperm.xlane v5, v0;
	_ =	sdelay $0x1  }
0x180: {  	v5 =	vperm.xlane v5, v2;
	v6 =	vadd.s32 v1, v6;
	_ =	sdelay $0x1  }
0x181: {  	v5 =	vadd.s32 v1, v5;
	_ =	sdelay $0x1  }
0x182: {  	s22 =	simm.s32 $0x9200  }
0x183: {  	[tilespmem:s22], [sflag:$0x2] =	stream.indirect_vreg.gather [hbm4b:s1+s3], $0x80, v6, vm0, $0xb8;
	[tilespmem:$0x12200] =	vst v63  }
0x184: {  	_ = 	snop  }
0x185: {  	[tilespmem:s18], [sflag:$0x2] =	stream.indirect_vreg.gather [hbm4b:s1+s3], $0x80, v5, vm0, $0xb8;
	[tilespmem:$0x12200] =	vst v63  }
0x186: {  	v5 =	vld [tilespmem:$0x1A0];
	_ =	sdelay $0x4  }
0x187: {  	v6 =	vshll.u32 v5, $0x1  }
0x188: {  	v5 =	vand.u32 $0x7, v5;
	v6 =	vand.u32 $0xFFFFFFF0, v6  }
0x189: {  	v5 =	vor.u32 v5, v6  }
0x18a: {  	v6 =	vperm.xlane v5, v0;
	_ =	sdelay $0x1  }
0x18b: {  	v5 =	vperm.xlane v5, v2;
	v6 =	vadd.s32 v1, v6;
	_ =	sdelay $0x1  }
0x18c: {  	v5 =	vadd.s32 v1, v5;
	_ =	sdelay $0x2  }
0x18d: {  	[tilespmem:s10], [sflag:$0x2] =	stream.indirect_vreg.gather [hbm4b:s1+s3], $0x80, v6, vm0, $0xb8;
	[tilespmem:$0x12200] =	vst v63  }
0x18e: {  	_ = 	snop  }
0x18f: {  	[tilespmem:s19], [sflag:$0x2] =	stream.indirect_vreg.gather [hbm4b:s1+s3], $0x80, v5, vm0, $0xb8;
	[tilespmem:$0x12200] =	vst v63  }
0x190: {  	v5 =	vld [tilespmem:$0x1B0];
	_ =	sdelay $0x4  }
0x191: {  	v6 =	vshll.u32 v5, $0x1  }
0x192: {  	v5 =	vand.u32 $0x7, v5;
	v6 =	vand.u32 $0xFFFFFFF0, v6  }
0x193: {  	v5 =	vor.u32 v5, v6  }
0x194: {  	v6 =	vperm.xlane v5, v0;
	_ =	sdelay $0x1  }
0x195: {  	v5 =	vperm.xlane v5, v2;
	v6 =	vadd.s32 v1, v6;
	_ =	sdelay $0x1  }
0x196: {  	v5 =	vadd.s32 v1, v5;
	_ =	sdelay $0x2  }
0x197: {  	[tilespmem:s5], [sflag:$0x2] =	stream.indirect_vreg.gather [hbm4b:s1+s3], $0x80, v6, vm0, $0xb8;
	[tilespmem:$0x12200] =	vst v63  }
0x198: {  	_ = 	snop  }
0x199: {  	[tilespmem:s12], [sflag:$0x2] =	stream.indirect_vreg.gather [hbm4b:s1+s3], $0x80, v5, vm0, $0xb8;
	[tilespmem:$0x12200] =	vst v63  }
0x19a: {  	v5 =	vld [tilespmem:$0x1C0];
	_ =	sdelay $0x4  }
0x19b: {  	v6 =	vshll.u32 v5, $0x1  }
0x19c: {  	v5 =	vand.u32 $0x7, v5;
	v6 =	vand.u32 $0xFFFFFFF0, v6  }
0x19d: {  	v5 =	vor.u32 v5, v6  }
0x19e: {  	v6 =	vperm.xlane v5, v0;
	_ =	sdelay $0x1  }
0x19f: {  	v5 =	vperm.xlane v5, v2;
	v6 =	vadd.s32 v1, v6;
	_ =	sdelay $0x1  }
0x1a0: {  	v5 =	vadd.s32 v1, v5;
	_ =	sdelay $0x2  }
0x1a1: {  	[tilespmem:s31], [sflag:$0x2] =	stream.indirect_vreg.gather [hbm4b:s1+s3], $0x80, v6, vm0, $0xb8;
	[tilespmem:$0x12200] =	vst v63  }
0x1a2: {  	s22 =	simm.s32 $0xCA00  }
0x1a3: {  	[tilespmem:s22], [sflag:$0x2] =	stream.indirect_vreg.gather [hbm4b:s1+s3], $0x80, v5, vm0, $0xb8;
	[tilespmem:$0x12200] =	vst v63  }
0x1a4: {  	v5 =	vld [tilespmem:$0x1D0];
	_ =	sdelay $0x4  }
0x1a5: {  	v6 =	vshll.u32 v5, $0x1  }
0x1a6: {  	v5 =	vand.u32 $0x7, v5;
	v6 =	vand.u32 $0xFFFFFFF0, v6  }
0x1a7: {  	v5 =	vor.u32 v5, v6  }
0x1a8: {  	v6 =	vperm.xlane v5, v0;
	_ =	sdelay $0x1  }
0x1a9: {  	v5 =	vperm.xlane v5, v2;
	v6 =	vadd.s32 v1, v6;
	_ =	sdelay $0x1  }
0x1aa: {  	v5 =	vadd.s32 v1, v5;
	_ =	sdelay $0x1  }
0x1ab: {  	s17 =	simm.s32 $0xD200  }
0x1ac: {  	[tilespmem:s17], [sflag:$0x2] =	stream.indirect_vreg.gather [hbm4b:s1+s3], $0x80, v6, vm0, $0xb8;
	[tilespmem:$0x12200] =	vst v63  }
0x1ad: {  	s22 =	simm.s32 $0xDA00  }
0x1ae: {  	[tilespmem:s22], [sflag:$0x2] =	stream.indirect_vreg.gather [hbm4b:s1+s3], $0x80, v5, vm0, $0xb8;
	[tilespmem:$0x12200] =	vst v63  }
0x1af: {  	v5 =	vld [tilespmem:$0x1E0];
	_ =	sdelay $0x4  }
0x1b0: {  	v6 =	vshll.u32 v5, $0x1  }
0x1b1: {  	v5 =	vand.u32 $0x7, v5;
	v6 =	vand.u32 $0xFFFFFFF0, v6  }
0x1b2: {  	v5 =	vor.u32 v5, v6  }
0x1b3: {  	v6 =	vperm.xlane v5, v0;
	_ =	sdelay $0x1  }
0x1b4: {  	v5 =	vperm.xlane v5, v2;
	v6 =	vadd.s32 v1, v6;
	_ =	sdelay $0x1  }
0x1b5: {  	v5 =	vadd.s32 v1, v5;
	_ =	sdelay $0x1  }
0x1b6: {  	s17 =	simm.s32 $0xE200  }
0x1b7: {  	[tilespmem:s17], [sflag:$0x2] =	stream.indirect_vreg.gather [hbm4b:s1+s3], $0x80, v6, vm0, $0xb8;
	[tilespmem:$0x12200] =	vst v63  }
0x1b8: {  	s22 =	simm.s32 $0xEA00  }
0x1b9: {  	[tilespmem:s22], [sflag:$0x2] =	stream.indirect_vreg.gather [hbm4b:s1+s3], $0x80, v5, vm0, $0xb8;
	[tilespmem:$0x12200] =	vst v63  }
0x1ba: {  	v5 =	vld [tilespmem:$0x1F0];
	_ =	sdelay $0x4  }
0x1bb: {  	v6 =	vshll.u32 v5, $0x1  }
0x1bc: {  	v5 =	vand.u32 $0x7, v5;
	v6 =	vand.u32 $0xFFFFFFF0, v6  }
0x1bd: {  	v5 =	vor.u32 v5, v6  }
0x1be: {  	v6 =	vperm.xlane v5, v0;
	_ =	sdelay $0x1  }
0x1bf: {  	v5 =	vperm.xlane v5, v2;
	v6 =	vadd.s32 v1, v6;
	_ =	sdelay $0x1  }
0x1c0: {  	v5 =	vadd.s32 v1, v5;
	_ =	sdelay $0x1  }
0x1c1: {  	s17 =	simm.s32 $0xF200  }
0x1c2: {  	[tilespmem:s17], [sflag:$0x2] =	stream.indirect_vreg.gather [hbm4b:s1+s3], $0x80, v6, vm0, $0xb8;
	[tilespmem:$0x12200] =	vst v63  }
0x1c3: {  	s22 =	simm.s32 $0xFA00  }
0x1c4: {  	[tilespmem:s22], [sflag:$0x2] =	stream.indirect_vreg.gather [hbm4b:s1+s3], $0x80, v5, vm0, $0xb8;
	[tilespmem:$0x12200] =	vst v63  }
0x1c5: {  	s10 =	rddreg [dreg:$0x6];
	s5 =	simm.s32 $0x200  }
0x1c6: {  	[hbm4b:s10+s3] =	stream.linear.scatter [tilespmem:s5], [sflag:$0x3], $0x8000, $0x38;
	[tilespmem:$0x12200] =	vst v63  }
0x1c7: {  	_ =	swait.ge [sflag:s11], $0x8000  }
0x1c8: {  	[sflag:s11] =	ssyncset.done $0x0  }
0x1c9: {  	[sflag:s11] =	ssyncadd.s32 $0xFFFF8000  }
0x1ca: {  	_ =	swait.ge [sflag:s9], $0x8000  }
0x1cb: {  	[sflag:s9] =	ssyncset.done $0x0  }
0x1cc: {  	s17 =	rddreg [dreg:$0x7];
	[sflag:s9] =	ssyncadd.s32 $0xFFFF8000  }
0x1cd: {  	[hbm4b:s17+s3] =	stream.linear.scatter [tilespmem:s30], [sflag:$0x3], $0x8000, $0x38;
	[tilespmem:$0x12200] =	vst v63  }
0x1ce: {  	_ =	swait.ge [sflag:s11], $0x8000  }
0x1cf: {  	s10 =	simm.s32 $0x80;
	[sflag:s11] =	ssyncset.done $0x0  }
0x1d0: {  	s17 =	simm.s32 $0x400;
	s9 =	rddreg [dreg:$0x8];
	[sflag:s11] =	ssyncadd.s32 $0xFFFF8000  }
0x1d1: {  	[hbm4b:s9+s10] =	stream.strided.scatter [tilespmem:s29], [sflag:$0x3], $0x2000, s17, s10, $0x38;
	[tilespmem:$0x12200] =	vst v63  }
0x1d2: {  	_ =	swait.ge [sflag:s11], $0x2000  }
0x1d3: {  	s21 =	sadd.s32 $0x1, s21;
	s17 =	rddreg [dreg:$0x9]  }
0x1d4: {  	p0 =	sne.s32 s21, s17  }
.Ltmp1:
0x1d5: {  	_ = 	snop;
	(pc) =	sbr.rel @p0 .LBB2_1-.Ltmp1, $3  }
0x1d6: {  	_ =	sdelay $0x1  }
0x1d7: {  	[sflag:s11] =	ssyncset.done $0x0  }
0x1d8: {  	[sflag:s11] =	ssyncadd.s32 $0xFFFFE000  }
0x1d9: {  	_ =	sfence.sel $0x180000  }
0x1da: {  	[bflag:$0x0] =	sbarrier.arrive $0xFFFF  }
0x1db: {  	_ =	strace $0x90000047  }
0x1dc: {  	s0 =	stileid.u32;
	[bflag:$0x2] =	sbarrier.arrive $0xFFFF  }
0x1dd: {  	p0 =	sne.s32 s0, $0x0;
	s0 =	rddreg [dreg:$0x3]  }
0x1de: {  	s0 =	sadd.s32 @!p0 $0x100000, s0  }
0x1df: {  	[sflag:s0] =	ssyncadd.tile.s32 @!p0 $0x1;
	_ =	shalt  }
.Lfunc_end2:
_tile_overlayer_lowered:
.L_overlay_start_2:
0x1e0: {  	(tag) =	ssettag $0x2  }
0x1e1: {  	s0 =	rddreg [dreg:$0x0];
	s2 =	stileid.u32  }
0x1e2: {  	s1 =	rddreg [dreg:$0x1];
	p0 =	sne.s32 s2, $0x0  }
0x1e3: {  	s3 =	rddreg [dreg:$0x2];
	[bflag:$0x3] =	sbarrier.arrive $0xFFFF;
	s2 =	simm.s32 @!p0 $0x1C03  }
0x1e4: {  	[timem:s3], [sflag:s2] =	dma.local @!p0 [hbm:s0], s1  }
0x1e5: {  	s0 =	simm.s32 @!p0 $0x3  }
0x1e6: {  	_ =	swait.ge @!p0 [sflag:s0], s1  }
0x1e7: {  	s1 =	ssub.s32 @!p0 $0x0, s1;
	[sflag:s0] =	ssyncset.done @!p0 $0x0  }
0x1e8: {  	[sflag:s0] =	ssyncadd.s32 @!p0 s1  }
0x1e9: {  	[bflag:$0x3] =	sbarrier.arrive $0xFFFF  }
0x1ea: {  	_ =	shalt  }

</sc_bundles>
